<compile_context>
chip_gen: v7x
topology: tpu7x:2x2x1
jax: 0.10.2.dev20260603
libtpu: 0.0.44.dev20260713+nightly
codegen_flags: <defaults>
</compile_context>

<pallas_src>
import functools

import jax
import jax.numpy as jnp
from jax import lax
from jax.experimental import pallas as pl
from jax.experimental.pallas import tpu as pltpu
from jax.experimental.pallas import tpu_sc as plsc

NC = 2
NS = 16
NW = NC * NS
CH = 128


def _make_segsum(n_chunks: int, n_acc: int, d: int):
  base_ch, rem_ch = divmod(n_chunks, NW)
  rpt = n_acc // NS

  mesh = plsc.VectorSubcoreMesh(core_axis_name="c", subcore_axis_name="s")

  @functools.partial(
      pl.kernel,
      out_type=jax.ShapeDtypeStruct((NC, n_acc, d), jnp.float32),
      mesh=mesh,
      scratch_types=[
          pltpu.VMEM((CH,), jnp.int32),
          pltpu.VMEM((CH,), jnp.int32),
          pltpu.VMEM((CH, d), jnp.float32),
          pltpu.VMEM_SHARED((n_acc, d), jnp.float32),
          pltpu.SemaphoreType.DMA,
      ],
  )
  def segsum(table_hbm, src_hbm, dst_hbm, z_hbm, out_hbm,
             src_v, dst_v, rows_v, acc_sh, sem):
    cid = lax.axis_index("c")
    sid = lax.axis_index("s")
    wid = sid * NC + cid

    row0 = sid * rpt
    pltpu.sync_copy(z_hbm.at[pl.ds(row0, rpt)], acc_sh.at[pl.ds(row0, rpt)])
    plsc.subcore_barrier()

    n_mine = base_ch + jnp.where(wid < rem_ch, 1, 0)

    def body(j, carry):
      base = (wid + j * NW) * CH
      pltpu.sync_copy(src_hbm.at[pl.ds(base, CH)], src_v)
      pltpu.sync_copy(dst_hbm.at[pl.ds(base, CH)], dst_v)
      pltpu.async_copy(table_hbm.at[src_v], rows_v, sem).wait()
      pltpu.sync_copy(rows_v, acc_sh.at[dst_v], add=True)
      return carry

    lax.fori_loop(0, n_mine, body, 0)
    plsc.subcore_barrier()

    pltpu.sync_copy(acc_sh.at[pl.ds(row0, rpt)],
                    out_hbm.at[cid, pl.ds(row0, rpt)])

  return segsum


def _make_count(n_chunks: int, n_acc: int):
  per_w = n_chunks // NW
  assert n_chunks % NW == 0
  rpt = n_acc // NS
  w = 128

  mesh = plsc.VectorSubcoreMesh(core_axis_name="c", subcore_axis_name="s")

  @functools.partial(
      pl.kernel,
      out_type=jax.ShapeDtypeStruct((NC, n_acc, w), jnp.float32),
      mesh=mesh,
      scratch_types=[
          pltpu.VMEM((per_w, CH), jnp.int32),
          pltpu.VMEM((CH, w), jnp.float32),
          pltpu.VMEM_SHARED((n_acc, w), jnp.float32),
      ],
  )
  def count(dst_hbm, ones_hbm, z_hbm, out_hbm, dst_v, ones_v, acc_sh):
    cid = lax.axis_index("c")
    sid = lax.axis_index("s")
    wid = sid * NC + cid

    row0 = sid * rpt
    pltpu.sync_copy(z_hbm.at[pl.ds(row0, rpt)], acc_sh.at[pl.ds(row0, rpt)])
    pltpu.sync_copy(dst_hbm.at[pl.ds(wid * per_w, per_w)], dst_v)
    pltpu.sync_copy(ones_hbm, ones_v)
    plsc.subcore_barrier()

    def body(j, carry):
      pltpu.sync_copy(ones_v, acc_sh.at[dst_v.at[j]], add=True)
      return carry

    lax.fori_loop(0, per_w, body, 0)
    plsc.subcore_barrier()
    pltpu.sync_copy(acc_sh.at[pl.ds(row0, rpt)],
                    out_hbm.at[cid, pl.ds(row0, rpt)])

  return count


def _layer_body(h_ref, p0_ref, p1_ref, invd_ref, ws_ref, wn_ref, b_ref, o_ref):
  mean = (p0_ref[...] + p1_ref[...]) * invd_ref[...]
  acc = lax.dot_general(h_ref[...], ws_ref[...], (((1,), (0,)), ((), ())),
                        precision=lax.Precision.HIGHEST,
                        preferred_element_type=jnp.float32)
  acc = acc + lax.dot_general(mean, wn_ref[...], (((1,), (0,)), ((), ())),
                              precision=lax.Precision.HIGHEST,
                              preferred_element_type=jnp.float32)
  o_ref[...] = jnp.maximum(acc + b_ref[...], 0.0)


def _layer_tc(h, p0, p1, invd, w_self, w_neigh, b):
  n, d = h.shape
  blk = 2000
  bs_row = pl.BlockSpec((blk, d), lambda i: (i, 0))
  bs_w = pl.BlockSpec((d, d), lambda i: (0, 0))
  bs_b = pl.BlockSpec((1, d), lambda i: (0, 0))
  return pl.pallas_call(
      _layer_body,
      grid=(n // blk,),
      in_specs=[bs_row, bs_row, bs_row, bs_row, bs_w, bs_w, bs_b],
      out_specs=bs_row,
      out_shape=jax.ShapeDtypeStruct((n, d), jnp.float32),
  )(h, p0, p1, invd, w_self, w_neigh, b.reshape(1, d))


def _final_body(p0_ref, p1_ref, invc_ref, w_ref, b_ref, o_ref):
  pooled = (p0_ref[...] + p1_ref[...]) * invc_ref[...]
  o_ref[...] = lax.dot_general(pooled, w_ref[...], (((1,), (0,)), ((), ())),
                               precision=lax.Precision.HIGHEST,
                               preferred_element_type=jnp.float32) + b_ref[...]


def _final_tc(p0, p1, invc, lin_w, lin_b):
  g, d = p0.shape
  c = lin_w.shape[1]
  return pl.pallas_call(
      _final_body,
      out_shape=jax.ShapeDtypeStruct((g, c), jnp.float32),
  )(p0, p1, invc, lin_w, lin_b.reshape(1, c))


def kernel(x, edge_index, edge_attr, batch,
           W_self0, W_neigh0, b0,
           W_self1, W_neigh1, b1,
           W_self2, W_neigh2, b2,
           lin_W, lin_b):
  n, d = x.shape
  e = edge_index.shape[1]
  g = 64
  src = edge_index[0]
  dst = edge_index[1]

  n_acc_n = ((n + NS * 8 - 1) // (NS * 8)) * (NS * 8)

  epad = (-e) % (8 * NW * CH)
  pad_rows = n + (jnp.arange(epad, dtype=jnp.int32) % (n_acc_n - n))
  dst2 = jnp.concatenate([dst, pad_rows]).reshape((e + epad) // CH, CH)

  count_edges = _make_count((e + epad) // CH, n_acc_n)
  ones128 = jnp.ones((CH, d), jnp.float32)
  zn = jnp.zeros((n_acc_n, d), jnp.float32)
  degp = count_edges(dst2, ones128, zn)
  deg = degp[0, :n, 0] + degp[1, :n, 0]
  invd = jnp.broadcast_to((1.0 / jnp.maximum(deg, 1.0))[:, None], (n, d))

  segsum_edges = _make_segsum(e // CH, n_acc_n, d)
  h = x
  prev = degp
  for w_self, w_neigh, b in ((W_self0, W_neigh0, b0),
                             (W_self1, W_neigh1, b1),
                             (W_self2, W_neigh2, b2)):
    zdep, _ = lax.optimization_barrier((zn, prev))
    parts = segsum_edges(h, src, dst, zdep)
    prev = parts
    h = _layer_tc(h, parts[0, :n], parts[1, :n], invd, w_self, w_neigh, b)

  n_acc = NS * 8
  ppad = (-n) % CH
  src_pp = jnp.concatenate([jnp.arange(n, dtype=jnp.int32),
                            jnp.zeros((ppad,), jnp.int32)])
  pool_pad_rows = g + (jnp.arange(ppad, dtype=jnp.int32) % (n_acc - g))
  dst_pp = jnp.concatenate([batch, pool_pad_rows])
  n_chp = (n + ppad) // CH

  segsum_pool = _make_segsum(n_chp, n_acc, d)
  zp = jnp.zeros((n_acc, d), jnp.float32)
  zpdep, _ = lax.optimization_barrier((zp, prev))
  pool_parts = segsum_pool(h, src_pp, dst_pp, zpdep)

  cpad = (-(n + ppad)) % (8 * NW * CH)
  dst_pc = jnp.concatenate(
      [dst_pp, g + (jnp.arange(cpad, dtype=jnp.int32) % (n_acc - g))])
  n_chc = (n + ppad + cpad) // CH
  count_pool = _make_count(n_chc, n_acc)
  zpdep2, _ = lax.optimization_barrier((zp, pool_parts))
  cntp = count_pool(dst_pc.reshape(n_chc, CH), ones128, zpdep2)
  cnt = cntp[0, :g, 0] + cntp[1, :g, 0]
  invc = jnp.broadcast_to((1.0 / jnp.maximum(cnt, 1.0))[:, None], (g, d))

  return _final_tc(pool_parts[0, :g], pool_parts[1, :g], invc, lin_W, lin_b)

# --- scband reference (transcript-rebuilt; emitter-appended) ---
"""Pipeline reference for scband-classifier-72069551227497 (READ-ONLY COPY).

The authoritative reference and input builder live on the scoring server;
editing this copy changes nothing except your own understanding.
"""

import jax, jax.numpy as jnp
import numpy as np

N = 10000
E = 320000
D = 128
H = 128
C = 40
G = 64
D_EDGE = 16


def setup_inputs(seed: int = 0) -> dict:
    key = jax.random.key(seed)
    ks = jax.random.split(key, 20)
    x = jax.random.normal(ks[0], (N, D), dtype=jnp.float32)
    edge_index = jax.random.randint(ks[1], (2, E), 0, N, dtype=jnp.int32)
    edge_attr = jax.random.normal(ks[2], (E, D_EDGE), dtype=jnp.float32)
    batch = jnp.sort(jax.random.randint(ks[3], (N,), 0, G, dtype=jnp.int32))
    s_in = 1.0 / np.sqrt(D)
    s_h = 1.0 / np.sqrt(H)
    params = {
        'W_self0': jax.random.normal(ks[4], (D, H), dtype=jnp.float32) * s_in,
        'W_neigh0': jax.random.normal(ks[5], (D, H), dtype=jnp.float32) * s_in,
        'b0': jnp.zeros((H,), dtype=jnp.float32),
        'W_self1': jax.random.normal(ks[6], (H, H), dtype=jnp.float32) * s_h,
        'W_neigh1': jax.random.normal(ks[7], (H, H), dtype=jnp.float32) * s_h,
        'b1': jnp.zeros((H,), dtype=jnp.float32),
        'W_self2': jax.random.normal(ks[8], (H, H), dtype=jnp.float32) * s_h,
        'W_neigh2': jax.random.normal(ks[9], (H, H), dtype=jnp.float32) * s_h,
        'b2': jnp.zeros((H,), dtype=jnp.float32),
        'lin_W': jax.random.normal(ks[10], (H, C), dtype=jnp.float32) * s_h,
        'lin_b': jnp.zeros((C,), dtype=jnp.float32),
    }
    inp = {'x': x, 'edge_index': edge_index, 'edge_attr': edge_attr, 'batch': batch}
    inp.update(params)
    return inp


def _sage_conv(h, src, dst, W_self, W_neigh, b):
    # mean aggregator over incoming edges (src -> dst)
    msg = h[src]
    agg = jax.ops.segment_sum(msg, dst, num_segments=N)
    deg = jax.ops.segment_sum(jnp.ones((src.shape[0],), dtype=h.dtype), dst, num_segments=N)
    mean = agg / jnp.maximum(deg, 1.0)[:, None]
    return h @ W_self + mean @ W_neigh + b


def reference(x, edge_index, edge_attr, batch,
              W_self0, W_neigh0, b0,
              W_self1, W_neigh1, b1,
              W_self2, W_neigh2, b2,
              lin_W, lin_b):
    src = edge_index[0]
    dst = edge_index[1]
    # SAGEConv with mean aggregation ignores edge_attr (matches the torch module's conv behavior)
    h = jax.nn.relu(_sage_conv(x, src, dst, W_self0, W_neigh0, b0))
    h = jax.nn.relu(_sage_conv(h, src, dst, W_self1, W_neigh1, b1))
    h = jax.nn.relu(_sage_conv(h, src, dst, W_self2, W_neigh2, b2))
    # global_mean_pool over graph assignment `batch`
    sums = jax.ops.segment_sum(h, batch, num_segments=G)
    cnt = jax.ops.segment_sum(jnp.ones((N,), dtype=h.dtype), batch, num_segments=G)
    pooled = sums / jnp.maximum(cnt, 1.0)[:, None]
    # dropout is identity in eval mode
    out = pooled @ lin_W + lin_b
    return out

if __name__ == "__main__":
    import jax
    _d = setup_inputs()
    print(jax.jit(kernel)(*tuple(_d.values())))

</pallas_src>

<mosaic_0001>
#map = affine_map<(d0, d1) -> (0, 0)>
#map1 = affine_map<(d0, d1) -> (0, 0, 0)>
module attributes {stable_mosaic.version = 14 : i64} {
  func.func @count(%arg0: i32, %arg1: i32, %arg2: memref<2560x128xi32, #tpu.memory_space<hbm>>, %arg3: memref<128x128xf32, #tpu.memory_space<hbm>>, %arg4: memref<10112x128xf32, #tpu.memory_space<hbm>>, %arg5: memref<2x10112x128xf32, #tpu.memory_space<hbm>>, %arg6: memref<80x128xi32, #tpu.memory_space<vmem>>, %arg7: memref<128x128xf32, #tpu.memory_space<vmem>>, %arg8: memref<10112x128xf32, #tpu.memory_space<vmem_shared>>) attributes {dimension_semantics = [#tpu.dimension_semantics<core_parallel>, #tpu.dimension_semantics<subcore_parallel>], iteration_bounds = array<i64: 2, 16>, scalar_prefetch = 0 : i64, scratch_operands = 3 : i64, tpu.core_type = #tpu.core_type<sc_vector_subcore>, window_params = [{transform_indices = #map}, {transform_indices = #map}, {transform_indices = #map}, {transform_indices = #map1}]} {
    %mul3A = arith.constant 2 : i32
    %mul3A_0 = arith.muli %arg1, %mul3A : i32
    %add3A = arith.addi %mul3A_0, %arg0 : i32
    %mul3A_1 = arith.constant 632 : i32
    %mul3A_2 = arith.muli %arg1, %mul3A_1 : i32
    "tpu.region"() ({
      %run_scoped3A = tpu.sem_alloc : memref<!tpu.dma_semaphore, #tpu.memory_space<semaphore_mem>>
      %dma_start3A = arith.constant 0 : i32
      %dma_start3A_11 = tpu.memref_slice %arg8[%mul3A_2, %dma_start3A] : memref<10112x128xf32, #tpu.memory_space<vmem_shared>> -> memref<632x128xf32, #tpu.memory_space<vmem_shared>>
      %dma_start3A_12 = arith.constant 0 : i32
      %dma_start3A_13 = tpu.memref_slice %arg4[%mul3A_2, %dma_start3A_12] : memref<10112x128xf32, #tpu.memory_space<hbm>> -> memref<632x128xf32, #tpu.memory_space<hbm>>
      tpu.enqueue_dma source(%dma_start3A_13 : memref<632x128xf32, #tpu.memory_space<hbm>>) target(%dma_start3A_11 : memref<632x128xf32, #tpu.memory_space<vmem_shared>>) target_semaphore(%run_scoped3A : memref<!tpu.dma_semaphore, #tpu.memory_space<semaphore_mem>>)
      %dma_wait3A = arith.constant 0 : i32
      %dma_wait3A_14 = tpu.memref_slice %arg8[%mul3A_2, %dma_wait3A] : memref<10112x128xf32, #tpu.memory_space<vmem_shared>> -> memref<632x128xf32, #tpu.memory_space<vmem_shared>>
      %dma_wait3A_15 = arith.constant 0 : i32
      %dma_wait3A_16 = tpu.memref_slice %arg4[%mul3A_2, %dma_wait3A_15] : memref<10112x128xf32, #tpu.memory_space<hbm>> -> memref<632x128xf32, #tpu.memory_space<hbm>>
      tpu.wait_dma2 semaphore(%run_scoped3A : memref<!tpu.dma_semaphore, #tpu.memory_space<semaphore_mem>>) src(%dma_wait3A_16 : memref<632x128xf32, #tpu.memory_space<hbm>>) dst(%dma_wait3A_14 : memref<632x128xf32, #tpu.memory_space<vmem_shared>>)
      tpu.yield
    }) : () -> ()
    %mul3A_3 = arith.constant 80 : i32
    %mul3A_4 = arith.muli %add3A, %mul3A_3 : i32
    "tpu.region"() ({
      %run_scoped3A = tpu.sem_alloc : memref<!tpu.dma_semaphore, #tpu.memory_space<semaphore_mem>>
      %dma_start3A = arith.constant 0 : i32
      %dma_start3A_11 = tpu.memref_slice %arg2[%mul3A_4, %dma_start3A] : memref<2560x128xi32, #tpu.memory_space<hbm>> -> memref<80x128xi32, #tpu.memory_space<hbm>>
      %dma_start3A_12 = arith.constant 0 : i32
      %dma_start3A_13 = tpu.memref_slice %arg2[%mul3A_4, %dma_start3A_12] : memref<2560x128xi32, #tpu.memory_space<hbm>> -> memref<80x128xi32, #tpu.memory_space<hbm>>
      tpu.enqueue_dma source(%dma_start3A_13 : memref<80x128xi32, #tpu.memory_space<hbm>>) target(%arg6 : memref<80x128xi32, #tpu.memory_space<vmem>>) target_semaphore(%run_scoped3A : memref<!tpu.dma_semaphore, #tpu.memory_space<semaphore_mem>>)
      %dma_wait3A = arith.constant 0 : i32
      %dma_wait3A_14 = tpu.memref_slice %arg2[%mul3A_4, %dma_wait3A] : memref<2560x128xi32, #tpu.memory_space<hbm>> -> memref<80x128xi32, #tpu.memory_space<hbm>>
      %dma_wait3A_15 = arith.constant 0 : i32
      %dma_wait3A_16 = tpu.memref_slice %arg2[%mul3A_4, %dma_wait3A_15] : memref<2560x128xi32, #tpu.memory_space<hbm>> -> memref<80x128xi32, #tpu.memory_space<hbm>>
      tpu.wait_dma2 semaphore(%run_scoped3A : memref<!tpu.dma_semaphore, #tpu.memory_space<semaphore_mem>>) src(%dma_wait3A_16 : memref<80x128xi32, #tpu.memory_space<hbm>>) dst(%arg6 : memref<80x128xi32, #tpu.memory_space<vmem>>)
      tpu.yield
    }) : () -> ()
    "tpu.region"() ({
      %run_scoped3A = tpu.sem_alloc : memref<!tpu.dma_semaphore, #tpu.memory_space<semaphore_mem>>
      tpu.enqueue_dma source(%arg3 : memref<128x128xf32, #tpu.memory_space<hbm>>) target(%arg7 : memref<128x128xf32, #tpu.memory_space<vmem>>) target_semaphore(%run_scoped3A : memref<!tpu.dma_semaphore, #tpu.memory_space<semaphore_mem>>)
      tpu.wait_dma2 semaphore(%run_scoped3A : memref<!tpu.dma_semaphore, #tpu.memory_space<semaphore_mem>>) src(%arg3 : memref<128x128xf32, #tpu.memory_space<hbm>>) dst(%arg7 : memref<128x128xf32, #tpu.memory_space<vmem>>)
      tpu.yield
    }) : () -> ()
    %barrier3A = arith.constant 0 : index
    tpu.barrier barrier_id(%barrier3A)
    %scan3A = arith.constant 0 : i32
    %scan3A_5 = arith.constant 0 : i32
    %scan3A_6 = arith.constant 80 : i32
    %scan3A_7 = arith.addi %scan3A_5, %scan3A_6 : i32
    %scan3A_8 = arith.constant 1 : i32
    scf.for %scan3A_11 = %scan3A_5 to %scan3A_7 step %scan3A_8  : i32 {
      "tpu.region"() ({
        %run_scoped3A = tpu.sem_alloc : memref<!tpu.dma_semaphore, #tpu.memory_space<semaphore_mem>>
        %dma_start3A = arith.constant 0 : i32
        %dma_start3A_12 = tpu.memref_slice %arg6[%scan3A_11, %dma_start3A] : memref<80x128xi32, #tpu.memory_space<vmem>> -> memref<1x128xi32, #tpu.memory_space<vmem>>
        %dma_start3A_13 = tpu.memref_squeeze %dma_start3A_12 : memref<1x128xi32, #tpu.memory_space<vmem>> -> memref<128xi32, #tpu.memory_space<vmem>>
        %dma_start3A_14 = arith.constant 0 : i32
        %dma_start3A_15 = arith.constant 0 : i32
        %dma_start3A_16 = tpu.memref_slice %arg8[%dma_start3A_14, %dma_start3A_15] : memref<10112x128xf32, #tpu.memory_space<vmem_shared>> -> memref<10112x128xf32, #tpu.memory_space<vmem_shared>>
        tpu.enqueue_indirect_dma source(%arg7 : memref<128x128xf32, #tpu.memory_space<vmem>>) target(%dma_start3A_16 : memref<10112x128xf32, #tpu.memory_space<vmem_shared>>) offsets(%dma_start3A_13 : memref<128xi32, #tpu.memory_space<vmem>>) semaphore(%run_scoped3A : memref<!tpu.dma_semaphore, #tpu.memory_space<semaphore_mem>>) {add = true}
        %dma_wait3A = arith.constant 0 : i32
        %dma_wait3A_17 = tpu.memref_slice %arg6[%scan3A_11, %dma_wait3A] : memref<80x128xi32, #tpu.memory_space<vmem>> -> memref<1x128xi32, #tpu.memory_space<vmem>>
        %dma_wait3A_18 = tpu.memref_squeeze %dma_wait3A_17 : memref<1x128xi32, #tpu.memory_space<vmem>> -> memref<128xi32, #tpu.memory_space<vmem>>
        %dma_wait3A_19 = arith.constant 0 : i32
        %dma_wait3A_20 = arith.constant 0 : i32
        %dma_wait3A_21 = tpu.memref_slice %arg8[%dma_wait3A_19, %dma_wait3A_20] : memref<10112x128xf32, #tpu.memory_space<vmem_shared>> -> memref<10112x128xf32, #tpu.memory_space<vmem_shared>>
        tpu.wait_indirect_dma semaphore(%run_scoped3A : memref<!tpu.dma_semaphore, #tpu.memory_space<semaphore_mem>>) src(%arg7 : memref<128x128xf32, #tpu.memory_space<vmem>>) dst(%dma_wait3A_21 : memref<10112x128xf32, #tpu.memory_space<vmem_shared>>)
        tpu.yield
      }) : () -> ()
    }
    %scan3A_9 = arith.constant 80 : i32
    %barrier3A_10 = arith.constant 0 : index
    tpu.barrier barrier_id(%barrier3A_10)
    "tpu.region"() ({
      %run_scoped3A = tpu.sem_alloc : memref<!tpu.dma_semaphore, #tpu.memory_space<semaphore_mem>>
      %dma_start3A = arith.constant 0 : i32
      %dma_start3A_11 = tpu.memref_slice %arg5[%arg0, %mul3A_2, %dma_start3A] : memref<2x10112x128xf32, #tpu.memory_space<hbm>> -> memref<1x632x128xf32, #tpu.memory_space<hbm>>
      %dma_start3A_12 = tpu.memref_squeeze %dma_start3A_11 : memref<1x632x128xf32, #tpu.memory_space<hbm>> -> memref<632x128xf32, #tpu.memory_space<hbm>>
      %dma_start3A_13 = arith.constant 0 : i32
      %dma_start3A_14 = tpu.memref_slice %arg8[%mul3A_2, %dma_start3A_13] : memref<10112x128xf32, #tpu.memory_space<vmem_shared>> -> memref<632x128xf32, #tpu.memory_space<vmem_shared>>
      tpu.enqueue_dma source(%dma_start3A_14 : memref<632x128xf32, #tpu.memory_space<vmem_shared>>) target(%dma_start3A_12 : memref<632x128xf32, #tpu.memory_space<hbm>>) target_semaphore(%run_scoped3A : memref<!tpu.dma_semaphore, #tpu.memory_space<semaphore_mem>>)
      %dma_wait3A = arith.constant 0 : i32
      %dma_wait3A_15 = tpu.memref_slice %arg5[%arg0, %mul3A_2, %dma_wait3A] : memref<2x10112x128xf32, #tpu.memory_space<hbm>> -> memref<1x632x128xf32, #tpu.memory_space<hbm>>
      %dma_wait3A_16 = tpu.memref_squeeze %dma_wait3A_15 : memref<1x632x128xf32, #tpu.memory_space<hbm>> -> memref<632x128xf32, #tpu.memory_space<hbm>>
      %dma_wait3A_17 = arith.constant 0 : i32
      %dma_wait3A_18 = tpu.memref_slice %arg8[%mul3A_2, %dma_wait3A_17] : memref<10112x128xf32, #tpu.memory_space<vmem_shared>> -> memref<632x128xf32, #tpu.memory_space<vmem_shared>>
      tpu.wait_dma2 semaphore(%run_scoped3A : memref<!tpu.dma_semaphore, #tpu.memory_space<semaphore_mem>>) src(%dma_wait3A_18 : memref<632x128xf32, #tpu.memory_space<vmem_shared>>) dst(%dma_wait3A_16 : memref<632x128xf32, #tpu.memory_space<hbm>>)
      tpu.yield
    }) : () -> ()
    return
  }
}

#map = affine_map<(d0, d1) -> (0, 0)>
#map1 = affine_map<(d0, d1) -> (0)>
#map2 = affine_map<(d0, d1) -> (0, 0, 0)>
module attributes {stable_mosaic.version = 14 : i64} {
  func.func @segsum(%arg0: i32, %arg1: i32, %arg2: memref<10000x128xf32, #tpu.memory_space<hbm>>, %arg3: memref<320000xi32, #tpu.memory_space<hbm>>, %arg4: memref<320000xi32, #tpu.memory_space<hbm>>, %arg5: memref<10112x128xf32, #tpu.memory_space<hbm>>, %arg6: memref<2x10112x128xf32, #tpu.memory_space<hbm>>, %arg7: memref<128xi32, #tpu.memory_space<vmem>>, %arg8: memref<128xi32, #tpu.memory_space<vmem>>, %arg9: memref<128x128xf32, #tpu.memory_space<vmem>>, %arg10: memref<10112x128xf32, #tpu.memory_space<vmem_shared>>, %arg11: memref<!tpu.dma_semaphore, #tpu.memory_space<semaphore_mem>>) attributes {dimension_semantics = [#tpu.dimension_semantics<core_parallel>, #tpu.dimension_semantics<subcore_parallel>], iteration_bounds = array<i64: 2, 16>, scalar_prefetch = 0 : i64, scratch_operands = 5 : i64, tpu.core_type = #tpu.core_type<sc_vector_subcore>, window_params = [{transform_indices = #map}, {transform_indices = #map1}, {transform_indices = #map1}, {transform_indices = #map}, {transform_indices = #map2}]} {
    %mul3A = arith.constant 2 : i32
    %mul3A_0 = arith.muli %arg1, %mul3A : i32
    %add3A = arith.addi %mul3A_0, %arg0 : i32
    %mul3A_1 = arith.constant 632 : i32
    %mul3A_2 = arith.muli %arg1, %mul3A_1 : i32
    "tpu.region"() ({
      %run_scoped3A = tpu.sem_alloc : memref<!tpu.dma_semaphore, #tpu.memory_space<semaphore_mem>>
      %dma_start3A = arith.constant 0 : i32
      %dma_start3A_17 = tpu.memref_slice %arg10[%mul3A_2, %dma_start3A] : memref<10112x128xf32, #tpu.memory_space<vmem_shared>> -> memref<632x128xf32, #tpu.memory_space<vmem_shared>>
      %dma_start3A_18 = arith.constant 0 : i32
      %dma_start3A_19 = tpu.memref_slice %arg5[%mul3A_2, %dma_start3A_18] : memref<10112x128xf32, #tpu.memory_space<hbm>> -> memref<632x128xf32, #tpu.memory_space<hbm>>
      tpu.enqueue_dma source(%dma_start3A_19 : memref<632x128xf32, #tpu.memory_space<hbm>>) target(%dma_start3A_17 : memref<632x128xf32, #tpu.memory_space<vmem_shared>>) target_semaphore(%run_scoped3A : memref<!tpu.dma_semaphore, #tpu.memory_space<semaphore_mem>>)
      %dma_wait3A = arith.constant 0 : i32
      %dma_wait3A_20 = tpu.memref_slice %arg10[%mul3A_2, %dma_wait3A] : memref<10112x128xf32, #tpu.memory_space<vmem_shared>> -> memref<632x128xf32, #tpu.memory_space<vmem_shared>>
      %dma_wait3A_21 = arith.constant 0 : i32
      %dma_wait3A_22 = tpu.memref_slice %arg5[%mul3A_2, %dma_wait3A_21] : memref<10112x128xf32, #tpu.memory_space<hbm>> -> memref<632x128xf32, #tpu.memory_space<hbm>>
      tpu.wait_dma2 semaphore(%run_scoped3A : memref<!tpu.dma_semaphore, #tpu.memory_space<semaphore_mem>>) src(%dma_wait3A_22 : memref<632x128xf32, #tpu.memory_space<hbm>>) dst(%dma_wait3A_20 : memref<632x128xf32, #tpu.memory_space<vmem_shared>>)
      tpu.yield
    }) : () -> ()
    %barrier3A = arith.constant 0 : index
    tpu.barrier barrier_id(%barrier3A)
    %lt3A = arith.constant 4 : i32
    %lt3A_3 = arith.cmpi slt, %add3A, %lt3A : i32
    %jit3A = arith.constant 1 : i32
    %jit3A_4 = arith.constant 0 : i32
    %select_n3A = arith.select %lt3A_3, %jit3A, %jit3A_4 : i32
    %add3A_5 = arith.constant 78 : i32
    %add3A_6 = arith.addi %add3A_5, %select_n3A : i32
    %while3A = arith.constant 0 : i32
    %while3A_7 = arith.constant 0 : i32
    %while3A_8 = arith.subi %add3A_6, %while3A_7 : i32
    %while3A_9 = arith.addi %while3A_7, %while3A_8 : i32
    %while3A_10 = arith.constant 1 : i32
    %while3A_11 = arith.divsi %while3A_8, %while3A_10 : i32
    %while3A_12 = arith.muli %while3A_11, %while3A_10 : i32
    %while3A_13 = arith.addi %while3A_7, %while3A_12 : i32
    %while3A_14 = arith.constant 1 : i32
    scf.for %while3A_17 = %while3A_7 to %while3A_13 step %while3A_14  : i32 {
      %mul3A_18 = arith.constant 32 : i32
      %mul3A_19 = arith.muli %while3A_17, %mul3A_18 : i32
      %add3A_20 = arith.addi %add3A, %mul3A_19 : i32
      %mul3A_21 = arith.constant 128 : i32
      %mul3A_22 = arith.muli %add3A_20, %mul3A_21 : i32
      "tpu.region"() ({
        %run_scoped3A = tpu.sem_alloc : memref<!tpu.dma_semaphore, #tpu.memory_space<semaphore_mem>>
        %dma_start3A_27 = tpu.memref_slice %arg3[%mul3A_22] : memref<320000xi32, #tpu.memory_space<hbm>> -> memref<128xi32, #tpu.memory_space<hbm>>
        %dma_start3A_28 = tpu.memref_slice %arg3[%mul3A_22] : memref<320000xi32, #tpu.memory_space<hbm>> -> memref<128xi32, #tpu.memory_space<hbm>>
        tpu.enqueue_dma source(%dma_start3A_28 : memref<128xi32, #tpu.memory_space<hbm>>) target(%arg7 : memref<128xi32, #tpu.memory_space<vmem>>) target_semaphore(%run_scoped3A : memref<!tpu.dma_semaphore, #tpu.memory_space<semaphore_mem>>)
        %dma_wait3A_29 = tpu.memref_slice %arg3[%mul3A_22] : memref<320000xi32, #tpu.memory_space<hbm>> -> memref<128xi32, #tpu.memory_space<hbm>>
        %dma_wait3A_30 = tpu.memref_slice %arg3[%mul3A_22] : memref<320000xi32, #tpu.memory_space<hbm>> -> memref<128xi32, #tpu.memory_space<hbm>>
        tpu.wait_dma2 semaphore(%run_scoped3A : memref<!tpu.dma_semaphore, #tpu.memory_space<semaphore_mem>>) src(%dma_wait3A_30 : memref<128xi32, #tpu.memory_space<hbm>>) dst(%arg7 : memref<128xi32, #tpu.memory_space<vmem>>)
        tpu.yield
      }) : () -> ()
      "tpu.region"() ({
        %run_scoped3A = tpu.sem_alloc : memref<!tpu.dma_semaphore, #tpu.memory_space<semaphore_mem>>
        %dma_start3A_27 = tpu.memref_slice %arg4[%mul3A_22] : memref<320000xi32, #tpu.memory_space<hbm>> -> memref<128xi32, #tpu.memory_space<hbm>>
        %dma_start3A_28 = tpu.memref_slice %arg4[%mul3A_22] : memref<320000xi32, #tpu.memory_space<hbm>> -> memref<128xi32, #tpu.memory_space<hbm>>
        tpu.enqueue_dma source(%dma_start3A_28 : memref<128xi32, #tpu.memory_space<hbm>>) target(%arg8 : memref<128xi32, #tpu.memory_space<vmem>>) target_semaphore(%run_scoped3A : memref<!tpu.dma_semaphore, #tpu.memory_space<semaphore_mem>>)
        %dma_wait3A_29 = tpu.memref_slice %arg4[%mul3A_22] : memref<320000xi32, #tpu.memory_space<hbm>> -> memref<128xi32, #tpu.memory_space<hbm>>
        %dma_wait3A_30 = tpu.memref_slice %arg4[%mul3A_22] : memref<320000xi32, #tpu.memory_space<hbm>> -> memref<128xi32, #tpu.memory_space<hbm>>
        tpu.wait_dma2 semaphore(%run_scoped3A : memref<!tpu.dma_semaphore, #tpu.memory_space<semaphore_mem>>) src(%dma_wait3A_30 : memref<128xi32, #tpu.memory_space<hbm>>) dst(%arg8 : memref<128xi32, #tpu.memory_space<vmem>>)
        tpu.yield
      }) : () -> ()
      %dma_start3A = arith.constant 0 : i32
      %dma_start3A_23 = arith.constant 0 : i32
      %dma_start3A_24 = tpu.memref_slice %arg2[%dma_start3A, %dma_start3A_23] : memref<10000x128xf32, #tpu.memory_space<hbm>> -> memref<10000x128xf32, #tpu.memory_space<hbm>>
      tpu.enqueue_indirect_dma source(%dma_start3A_24 : memref<10000x128xf32, #tpu.memory_space<hbm>>) target(%arg9 : memref<128x128xf32, #tpu.memory_space<vmem>>) offsets(%arg7 : memref<128xi32, #tpu.memory_space<vmem>>) semaphore(%arg11 : memref<!tpu.dma_semaphore, #tpu.memory_space<semaphore_mem>>)
      %dma_wait3A = arith.constant 0 : i32
      %dma_wait3A_25 = arith.constant 0 : i32
      %dma_wait3A_26 = tpu.memref_slice %arg2[%dma_wait3A, %dma_wait3A_25] : memref<10000x128xf32, #tpu.memory_space<hbm>> -> memref<10000x128xf32, #tpu.memory_space<hbm>>
      tpu.wait_indirect_dma semaphore(%arg11 : memref<!tpu.dma_semaphore, #tpu.memory_space<semaphore_mem>>) src(%dma_wait3A_26 : memref<10000x128xf32, #tpu.memory_space<hbm>>) dst(%arg9 : memref<128x128xf32, #tpu.memory_space<vmem>>)
      "tpu.region"() ({
        %run_scoped3A = tpu.sem_alloc : memref<!tpu.dma_semaphore, #tpu.memory_space<semaphore_mem>>
        %dma_start3A_27 = arith.constant 0 : i32
        %dma_start3A_28 = arith.constant 0 : i32
        %dma_start3A_29 = tpu.memref_slice %arg10[%dma_start3A_27, %dma_start3A_28] : memref<10112x128xf32, #tpu.memory_space<vmem_shared>> -> memref<10112x128xf32, #tpu.memory_space<vmem_shared>>
        tpu.enqueue_indirect_dma source(%arg9 : memref<128x128xf32, #tpu.memory_space<vmem>>) target(%dma_start3A_29 : memref<10112x128xf32, #tpu.memory_space<vmem_shared>>) offsets(%arg8 : memref<128xi32, #tpu.memory_space<vmem>>) semaphore(%run_scoped3A : memref<!tpu.dma_semaphore, #tpu.memory_space<semaphore_mem>>) {add = true}
        %dma_wait3A_30 = arith.constant 0 : i32
        %dma_wait3A_31 = arith.constant 0 : i32
        %dma_wait3A_32 = tpu.memref_slice %arg10[%dma_wait3A_30, %dma_wait3A_31] : memref<10112x128xf32, #tpu.memory_space<vmem_shared>> -> memref<10112x128xf32, #tpu.memory_space<vmem_shared>>
        tpu.wait_indirect_dma semaphore(%run_scoped3A : memref<!tpu.dma_semaphore, #tpu.memory_space<semaphore_mem>>) src(%arg9 : memref<128x128xf32, #tpu.memory_space<vmem>>) dst(%dma_wait3A_32 : memref<10112x128xf32, #tpu.memory_space<vmem_shared>>)
        tpu.yield
      }) : () -> ()
    }
    %while3A_15 = arith.constant 1 : i32
    scf.for %while3A_17 = %while3A_13 to %while3A_9 step %while3A_15  : i32 {
      %mul3A_18 = arith.constant 32 : i32
      %mul3A_19 = arith.muli %while3A_17, %mul3A_18 : i32
      %add3A_20 = arith.addi %add3A, %mul3A_19 : i32
      %mul3A_21 = arith.constant 128 : i32
      %mul3A_22 = arith.muli %add3A_20, %mul3A_21 : i32
      "tpu.region"() ({
        %run_scoped3A = tpu.sem_alloc : memref<!tpu.dma_semaphore, #tpu.memory_space<semaphore_mem>>
        %dma_start3A_27 = tpu.memref_slice %arg3[%mul3A_22] : memref<320000xi32, #tpu.memory_space<hbm>> -> memref<128xi32, #tpu.memory_space<hbm>>
        %dma_start3A_28 = tpu.memref_slice %arg3[%mul3A_22] : memref<320000xi32, #tpu.memory_space<hbm>> -> memref<128xi32, #tpu.memory_space<hbm>>
        tpu.enqueue_dma source(%dma_start3A_28 : memref<128xi32, #tpu.memory_space<hbm>>) target(%arg7 : memref<128xi32, #tpu.memory_space<vmem>>) target_semaphore(%run_scoped3A : memref<!tpu.dma_semaphore, #tpu.memory_space<semaphore_mem>>)
        %dma_wait3A_29 = tpu.memref_slice %arg3[%mul3A_22] : memref<320000xi32, #tpu.memory_space<hbm>> -> memref<128xi32, #tpu.memory_space<hbm>>
        %dma_wait3A_30 = tpu.memref_slice %arg3[%mul3A_22] : memref<320000xi32, #tpu.memory_space<hbm>> -> memref<128xi32, #tpu.memory_space<hbm>>
        tpu.wait_dma2 semaphore(%run_scoped3A : memref<!tpu.dma_semaphore, #tpu.memory_space<semaphore_mem>>) src(%dma_wait3A_30 : memref<128xi32, #tpu.memory_space<hbm>>) dst(%arg7 : memref<128xi32, #tpu.memory_space<vmem>>)
        tpu.yield
      }) : () -> ()
      "tpu.region"() ({
        %run_scoped3A = tpu.sem_alloc : memref<!tpu.dma_semaphore, #tpu.memory_space<semaphore_mem>>
        %dma_start3A_27 = tpu.memref_slice %arg4[%mul3A_22] : memref<320000xi32, #tpu.memory_space<hbm>> -> memref<128xi32, #tpu.memory_space<hbm>>
        %dma_start3A_28 = tpu.memref_slice %arg4[%mul3A_22] : memref<320000xi32, #tpu.memory_space<hbm>> -> memref<128xi32, #tpu.memory_space<hbm>>
        tpu.enqueue_dma source(%dma_start3A_28 : memref<128xi32, #tpu.memory_space<hbm>>) target(%arg8 : memref<128xi32, #tpu.memory_space<vmem>>) target_semaphore(%run_scoped3A : memref<!tpu.dma_semaphore, #tpu.memory_space<semaphore_mem>>)
        %dma_wait3A_29 = tpu.memref_slice %arg4[%mul3A_22] : memref<320000xi32, #tpu.memory_space<hbm>> -> memref<128xi32, #tpu.memory_space<hbm>>
        %dma_wait3A_30 = tpu.memref_slice %arg4[%mul3A_22] : memref<320000xi32, #tpu.memory_space<hbm>> -> memref<128xi32, #tpu.memory_space<hbm>>
        tpu.wait_dma2 semaphore(%run_scoped3A : memref<!tpu.dma_semaphore, #tpu.memory_space<semaphore_mem>>) src(%dma_wait3A_30 : memref<128xi32, #tpu.memory_space<hbm>>) dst(%arg8 : memref<128xi32, #tpu.memory_space<vmem>>)
        tpu.yield
      }) : () -> ()
      %dma_start3A = arith.constant 0 : i32
      %dma_start3A_23 = arith.constant 0 : i32
      %dma_start3A_24 = tpu.memref_slice %arg2[%dma_start3A, %dma_start3A_23] : memref<10000x128xf32, #tpu.memory_space<hbm>> -> memref<10000x128xf32, #tpu.memory_space<hbm>>
      tpu.enqueue_indirect_dma source(%dma_start3A_24 : memref<10000x128xf32, #tpu.memory_space<hbm>>) target(%arg9 : memref<128x128xf32, #tpu.memory_space<vmem>>) offsets(%arg7 : memref<128xi32, #tpu.memory_space<vmem>>) semaphore(%arg11 : memref<!tpu.dma_semaphore, #tpu.memory_space<semaphore_mem>>)
      %dma_wait3A = arith.constant 0 : i32
      %dma_wait3A_25 = arith.constant 0 : i32
      %dma_wait3A_26 = tpu.memref_slice %arg2[%dma_wait3A, %dma_wait3A_25] : memref<10000x128xf32, #tpu.memory_space<hbm>> -> memref<10000x128xf32, #tpu.memory_space<hbm>>
      tpu.wait_indirect_dma semaphore(%arg11 : memref<!tpu.dma_semaphore, #tpu.memory_space<semaphore_mem>>) src(%dma_wait3A_26 : memref<10000x128xf32, #tpu.memory_space<hbm>>) dst(%arg9 : memref<128x128xf32, #tpu.memory_space<vmem>>)
      "tpu.region"() ({
        %run_scoped3A = tpu.sem_alloc : memref<!tpu.dma_semaphore, #tpu.memory_space<semaphore_mem>>
        %dma_start3A_27 = arith.constant 0 : i32
        %dma_start3A_28 = arith.constant 0 : i32
        %dma_start3A_29 = tpu.memref_slice %arg10[%dma_start3A_27, %dma_start3A_28] : memref<10112x128xf32, #tpu.memory_space<vmem_shared>> -> memref<10112x128xf32, #tpu.memory_space<vmem_shared>>
        tpu.enqueue_indirect_dma source(%arg9 : memref<128x128xf32, #tpu.memory_space<vmem>>) target(%dma_start3A_29 : memref<10112x128xf32, #tpu.memory_space<vmem_shared>>) offsets(%arg8 : memref<128xi32, #tpu.memory_space<vmem>>) semaphore(%run_scoped3A : memref<!tpu.dma_semaphore, #tpu.memory_space<semaphore_mem>>) {add = true}
        %dma_wait3A_30 = arith.constant 0 : i32
        %dma_wait3A_31 = arith.constant 0 : i32
        %dma_wait3A_32 = tpu.memref_slice %arg10[%dma_wait3A_30, %dma_wait3A_31] : memref<10112x128xf32, #tpu.memory_space<vmem_shared>> -> memref<10112x128xf32, #tpu.memory_space<vmem_shared>>
        tpu.wait_indirect_dma semaphore(%run_scoped3A : memref<!tpu.dma_semaphore, #tpu.memory_space<semaphore_mem>>) src(%arg9 : memref<128x128xf32, #tpu.memory_space<vmem>>) dst(%dma_wait3A_32 : memref<10112x128xf32, #tpu.memory_space<vmem_shared>>)
        tpu.yield
      }) : () -> ()
    }
    %barrier3A_16 = arith.constant 0 : index
    tpu.barrier barrier_id(%barrier3A_16)
    "tpu.region"() ({
      %run_scoped3A = tpu.sem_alloc : memref<!tpu.dma_semaphore, #tpu.memory_space<semaphore_mem>>
      %dma_start3A = arith.constant 0 : i32
      %dma_start3A_17 = tpu.memref_slice %arg6[%arg0, %mul3A_2, %dma_start3A] : memref<2x10112x128xf32, #tpu.memory_space<hbm>> -> memref<1x632x128xf32, #tpu.memory_space<hbm>>
      %dma_start3A_18 = tpu.memref_squeeze %dma_start3A_17 : memref<1x632x128xf32, #tpu.memory_space<hbm>> -> memref<632x128xf32, #tpu.memory_space<hbm>>
      %dma_start3A_19 = arith.constant 0 : i32
      %dma_start3A_20 = tpu.memref_slice %arg10[%mul3A_2, %dma_start3A_19] : memref<10112x128xf32, #tpu.memory_space<vmem_shared>> -> memref<632x128xf32, #tpu.memory_space<vmem_shared>>
      tpu.enqueue_dma source(%dma_start3A_20 : memref<632x128xf32, #tpu.memory_space<vmem_shared>>) target(%dma_start3A_18 : memref<632x128xf32, #tpu.memory_space<hbm>>) target_semaphore(%run_scoped3A : memref<!tpu.dma_semaphore, #tpu.memory_space<semaphore_mem>>)
      %dma_wait3A = arith.constant 0 : i32
      %dma_wait3A_21 = tpu.memref_slice %arg6[%arg0, %mul3A_2, %dma_wait3A] : memref<2x10112x128xf32, #tpu.memory_space<hbm>> -> memref<1x632x128xf32, #tpu.memory_space<hbm>>
      %dma_wait3A_22 = tpu.memref_squeeze %dma_wait3A_21 : memref<1x632x128xf32, #tpu.memory_space<hbm>> -> memref<632x128xf32, #tpu.memory_space<hbm>>
      %dma_wait3A_23 = arith.constant 0 : i32
      %dma_wait3A_24 = tpu.memref_slice %arg10[%mul3A_2, %dma_wait3A_23] : memref<10112x128xf32, #tpu.memory_space<vmem_shared>> -> memref<632x128xf32, #tpu.memory_space<vmem_shared>>
      tpu.wait_dma2 semaphore(%run_scoped3A : memref<!tpu.dma_semaphore, #tpu.memory_space<semaphore_mem>>) src(%dma_wait3A_24 : memref<632x128xf32, #tpu.memory_space<vmem_shared>>) dst(%dma_wait3A_22 : memref<632x128xf32, #tpu.memory_space<hbm>>)
      tpu.yield
    }) : () -> ()
    return
  }
}

#map = affine_map<(d0, d1) -> (0, 0)>
#map1 = affine_map<(d0, d1) -> (0)>
#map2 = affine_map<(d0, d1) -> (0, 0, 0)>
module attributes {stable_mosaic.version = 14 : i64} {
  func.func @segsum(%arg0: i32, %arg1: i32, %arg2: memref<10000x128xf32, #tpu.memory_space<hbm>>, %arg3: memref<320000xi32, #tpu.memory_space<hbm>>, %arg4: memref<320000xi32, #tpu.memory_space<hbm>>, %arg5: memref<10112x128xf32, #tpu.memory_space<hbm>>, %arg6: memref<2x10112x128xf32, #tpu.memory_space<hbm>>, %arg7: memref<128xi32, #tpu.memory_space<vmem>>, %arg8: memref<128xi32, #tpu.memory_space<vmem>>, %arg9: memref<128x128xf32, #tpu.memory_space<vmem>>, %arg10: memref<10112x128xf32, #tpu.memory_space<vmem_shared>>, %arg11: memref<!tpu.dma_semaphore, #tpu.memory_space<semaphore_mem>>) attributes {dimension_semantics = [#tpu.dimension_semantics<core_parallel>, #tpu.dimension_semantics<subcore_parallel>], iteration_bounds = array<i64: 2, 16>, scalar_prefetch = 0 : i64, scratch_operands = 5 : i64, tpu.core_type = #tpu.core_type<sc_vector_subcore>, window_params = [{transform_indices = #map}, {transform_indices = #map1}, {transform_indices = #map1}, {transform_indices = #map}, {transform_indices = #map2}]} {
    %mul3A = arith.constant 2 : i32
    %mul3A_0 = arith.muli %arg1, %mul3A : i32
    %add3A = arith.addi %mul3A_0, %arg0 : i32
    %mul3A_1 = arith.constant 632 : i32
    %mul3A_2 = arith.muli %arg1, %mul3A_1 : i32
    "tpu.region"() ({
      %run_scoped3A = tpu.sem_alloc : memref<!tpu.dma_semaphore, #tpu.memory_space<semaphore_mem>>
      %dma_start3A = arith.constant 0 : i32
      %dma_start3A_17 = tpu.memref_slice %arg10[%mul3A_2, %dma_start3A] : memref<10112x128xf32, #tpu.memory_space<vmem_shared>> -> memref<632x128xf32, #tpu.memory_space<vmem_shared>>
      %dma_start3A_18 = arith.constant 0 : i32
      %dma_start3A_19 = tpu.memref_slice %arg5[%mul3A_2, %dma_start3A_18] : memref<10112x128xf32, #tpu.memory_space<hbm>> -> memref<632x128xf32, #tpu.memory_space<hbm>>
      tpu.enqueue_dma source(%dma_start3A_19 : memref<632x128xf32, #tpu.memory_space<hbm>>) target(%dma_start3A_17 : memref<632x128xf32, #tpu.memory_space<vmem_shared>>) target_semaphore(%run_scoped3A : memref<!tpu.dma_semaphore, #tpu.memory_space<semaphore_mem>>)
      %dma_wait3A = arith.constant 0 : i32
      %dma_wait3A_20 = tpu.memref_slice %arg10[%mul3A_2, %dma_wait3A] : memref<10112x128xf32, #tpu.memory_space<vmem_shared>> -> memref<632x128xf32, #tpu.memory_space<vmem_shared>>
      %dma_wait3A_21 = arith.constant 0 : i32
      %dma_wait3A_22 = tpu.memref_slice %arg5[%mul3A_2, %dma_wait3A_21] : memref<10112x128xf32, #tpu.memory_space<hbm>> -> memref<632x128xf32, #tpu.memory_space<hbm>>
      tpu.wait_dma2 semaphore(%run_scoped3A : memref<!tpu.dma_semaphore, #tpu.memory_space<semaphore_mem>>) src(%dma_wait3A_22 : memref<632x128xf32, #tpu.memory_space<hbm>>) dst(%dma_wait3A_20 : memref<632x128xf32, #tpu.memory_space<vmem_shared>>)
      tpu.yield
    }) : () -> ()
    %barrier3A = arith.constant 0 : index
    tpu.barrier barrier_id(%barrier3A)
    %lt3A = arith.constant 4 : i32
    %lt3A_3 = arith.cmpi slt, %add3A, %lt3A : i32
    %jit3A = arith.constant 1 : i32
    %jit3A_4 = arith.constant 0 : i32
    %select_n3A = arith.select %lt3A_3, %jit3A, %jit3A_4 : i32
    %add3A_5 = arith.constant 78 : i32
    %add3A_6 = arith.addi %add3A_5, %select_n3A : i32
    %while3A = arith.constant 0 : i32
    %while3A_7 = arith.constant 0 : i32
    %while3A_8 = arith.subi %add3A_6, %while3A_7 : i32
    %while3A_9 = arith.addi %while3A_7, %while3A_8 : i32
    %while3A_10 = arith.constant 1 : i32
    %while3A_11 = arith.divsi %while3A_8, %while3A_10 : i32
    %while3A_12 = arith.muli %while3A_11, %while3A_10 : i32
    %while3A_13 = arith.addi %while3A_7, %while3A_12 : i32
    %while3A_14 = arith.constant 1 : i32
    scf.for %while3A_17 = %while3A_7 to %while3A_13 step %while3A_14  : i32 {
      %mul3A_18 = arith.constant 32 : i32
      %mul3A_19 = arith.muli %while3A_17, %mul3A_18 : i32
      %add3A_20 = arith.addi %add3A, %mul3A_19 : i32
      %mul3A_21 = arith.constant 128 : i32
      %mul3A_22 = arith.muli %add3A_20, %mul3A_21 : i32
      "tpu.region"() ({
        %run_scoped3A = tpu.sem_alloc : memref<!tpu.dma_semaphore, #tpu.memory_space<semaphore_mem>>
        %dma_start3A_27 = tpu.memref_slice %arg3[%mul3A_22] : memref<320000xi32, #tpu.memory_space<hbm>> -> memref<128xi32, #tpu.memory_space<hbm>>
        %dma_start3A_28 = tpu.memref_slice %arg3[%mul3A_22] : memref<320000xi32, #tpu.memory_space<hbm>> -> memref<128xi32, #tpu.memory_space<hbm>>
        tpu.enqueue_dma source(%dma_start3A_28 : memref<128xi32, #tpu.memory_space<hbm>>) target(%arg7 : memref<128xi32, #tpu.memory_space<vmem>>) target_semaphore(%run_scoped3A : memref<!tpu.dma_semaphore, #tpu.memory_space<semaphore_mem>>)
        %dma_wait3A_29 = tpu.memref_slice %arg3[%mul3A_22] : memref<320000xi32, #tpu.memory_space<hbm>> -> memref<128xi32, #tpu.memory_space<hbm>>
        %dma_wait3A_30 = tpu.memref_slice %arg3[%mul3A_22] : memref<320000xi32, #tpu.memory_space<hbm>> -> memref<128xi32, #tpu.memory_space<hbm>>
        tpu.wait_dma2 semaphore(%run_scoped3A : memref<!tpu.dma_semaphore, #tpu.memory_space<semaphore_mem>>) src(%dma_wait3A_30 : memref<128xi32, #tpu.memory_space<hbm>>) dst(%arg7 : memref<128xi32, #tpu.memory_space<vmem>>)
        tpu.yield
      }) : () -> ()
      "tpu.region"() ({
        %run_scoped3A = tpu.sem_alloc : memref<!tpu.dma_semaphore, #tpu.memory_space<semaphore_mem>>
        %dma_start3A_27 = tpu.memref_slice %arg4[%mul3A_22] : memref<320000xi32, #tpu.memory_space<hbm>> -> memref<128xi32, #tpu.memory_space<hbm>>
        %dma_start3A_28 = tpu.memref_slice %arg4[%mul3A_22] : memref<320000xi32, #tpu.memory_space<hbm>> -> memref<128xi32, #tpu.memory_space<hbm>>
        tpu.enqueue_dma source(%dma_start3A_28 : memref<128xi32, #tpu.memory_space<hbm>>) target(%arg8 : memref<128xi32, #tpu.memory_space<vmem>>) target_semaphore(%run_scoped3A : memref<!tpu.dma_semaphore, #tpu.memory_space<semaphore_mem>>)
        %dma_wait3A_29 = tpu.memref_slice %arg4[%mul3A_22] : memref<320000xi32, #tpu.memory_space<hbm>> -> memref<128xi32, #tpu.memory_space<hbm>>
        %dma_wait3A_30 = tpu.memref_slice %arg4[%mul3A_22] : memref<320000xi32, #tpu.memory_space<hbm>> -> memref<128xi32, #tpu.memory_space<hbm>>
        tpu.wait_dma2 semaphore(%run_scoped3A : memref<!tpu.dma_semaphore, #tpu.memory_space<semaphore_mem>>) src(%dma_wait3A_30 : memref<128xi32, #tpu.memory_space<hbm>>) dst(%arg8 : memref<128xi32, #tpu.memory_space<vmem>>)
        tpu.yield
      }) : () -> ()
      %dma_start3A = arith.constant 0 : i32
      %dma_start3A_23 = arith.constant 0 : i32
      %dma_start3A_24 = tpu.memref_slice %arg2[%dma_start3A, %dma_start3A_23] : memref<10000x128xf32, #tpu.memory_space<hbm>> -> memref<10000x128xf32, #tpu.memory_space<hbm>>
      tpu.enqueue_indirect_dma source(%dma_start3A_24 : memref<10000x128xf32, #tpu.memory_space<hbm>>) target(%arg9 : memref<128x128xf32, #tpu.memory_space<vmem>>) offsets(%arg7 : memref<128xi32, #tpu.memory_space<vmem>>) semaphore(%arg11 : memref<!tpu.dma_semaphore, #tpu.memory_space<semaphore_mem>>)
      %dma_wait3A = arith.constant 0 : i32
      %dma_wait3A_25 = arith.constant 0 : i32
      %dma_wait3A_26 = tpu.memref_slice %arg2[%dma_wait3A, %dma_wait3A_25] : memref<10000x128xf32, #tpu.memory_space<hbm>> -> memref<10000x128xf32, #tpu.memory_space<hbm>>
      tpu.wait_indirect_dma semaphore(%arg11 : memref<!tpu.dma_semaphore, #tpu.memory_space<semaphore_mem>>) src(%dma_wait3A_26 : memref<10000x128xf32, #tpu.memory_space<hbm>>) dst(%arg9 : memref<128x128xf32, #tpu.memory_space<vmem>>)
      "tpu.region"() ({
        %run_scoped3A = tpu.sem_alloc : memref<!tpu.dma_semaphore, #tpu.memory_space<semaphore_mem>>
        %dma_start3A_27 = arith.constant 0 : i32
        %dma_start3A_28 = arith.constant 0 : i32
        %dma_start3A_29 = tpu.memref_slice %arg10[%dma_start3A_27, %dma_start3A_28] : memref<10112x128xf32, #tpu.memory_space<vmem_shared>> -> memref<10112x128xf32, #tpu.memory_space<vmem_shared>>
        tpu.enqueue_indirect_dma source(%arg9 : memref<128x128xf32, #tpu.memory_space<vmem>>) target(%dma_start3A_29 : memref<10112x128xf32, #tpu.memory_space<vmem_shared>>) offsets(%arg8 : memref<128xi32, #tpu.memory_space<vmem>>) semaphore(%run_scoped3A : memref<!tpu.dma_semaphore, #tpu.memory_space<semaphore_mem>>) {add = true}
        %dma_wait3A_30 = arith.constant 0 : i32
        %dma_wait3A_31 = arith.constant 0 : i32
        %dma_wait3A_32 = tpu.memref_slice %arg10[%dma_wait3A_30, %dma_wait3A_31] : memref<10112x128xf32, #tpu.memory_space<vmem_shared>> -> memref<10112x128xf32, #tpu.memory_space<vmem_shared>>
        tpu.wait_indirect_dma semaphore(%run_scoped3A : memref<!tpu.dma_semaphore, #tpu.memory_space<semaphore_mem>>) src(%arg9 : memref<128x128xf32, #tpu.memory_space<vmem>>) dst(%dma_wait3A_32 : memref<10112x128xf32, #tpu.memory_space<vmem_shared>>)
        tpu.yield
      }) : () -> ()
    }
    %while3A_15 = arith.constant 1 : i32
    scf.for %while3A_17 = %while3A_13 to %while3A_9 step %while3A_15  : i32 {
      %mul3A_18 = arith.constant 32 : i32
      %mul3A_19 = arith.muli %while3A_17, %mul3A_18 : i32
      %add3A_20 = arith.addi %add3A, %mul3A_19 : i32
      %mul3A_21 = arith.constant 128 : i32
      %mul3A_22 = arith.muli %add3A_20, %mul3A_21 : i32
      "tpu.region"() ({
        %run_scoped3A = tpu.sem_alloc : memref<!tpu.dma_semaphore, #tpu.memory_space<semaphore_mem>>
        %dma_start3A_27 = tpu.memref_slice %arg3[%mul3A_22] : memref<320000xi32, #tpu.memory_space<hbm>> -> memref<128xi32, #tpu.memory_space<hbm>>
        %dma_start3A_28 = tpu.memref_slice %arg3[%mul3A_22] : memref<320000xi32, #tpu.memory_space<hbm>> -> memref<128xi32, #tpu.memory_space<hbm>>
        tpu.enqueue_dma source(%dma_start3A_28 : memref<128xi32, #tpu.memory_space<hbm>>) target(%arg7 : memref<128xi32, #tpu.memory_space<vmem>>) target_semaphore(%run_scoped3A : memref<!tpu.dma_semaphore, #tpu.memory_space<semaphore_mem>>)
        %dma_wait3A_29 = tpu.memref_slice %arg3[%mul3A_22] : memref<320000xi32, #tpu.memory_space<hbm>> -> memref<128xi32, #tpu.memory_space<hbm>>
        %dma_wait3A_30 = tpu.memref_slice %arg3[%mul3A_22] : memref<320000xi32, #tpu.memory_space<hbm>> -> memref<128xi32, #tpu.memory_space<hbm>>
        tpu.wait_dma2 semaphore(%run_scoped3A : memref<!tpu.dma_semaphore, #tpu.memory_space<semaphore_mem>>) src(%dma_wait3A_30 : memref<128xi32, #tpu.memory_space<hbm>>) dst(%arg7 : memref<128xi32, #tpu.memory_space<vmem>>)
        tpu.yield
      }) : () -> ()
      "tpu.region"() ({
        %run_scoped3A = tpu.sem_alloc : memref<!tpu.dma_semaphore, #tpu.memory_space<semaphore_mem>>
        %dma_start3A_27 = tpu.memref_slice %arg4[%mul3A_22] : memref<320000xi32, #tpu.memory_space<hbm>> -> memref<128xi32, #tpu.memory_space<hbm>>
        %dma_start3A_28 = tpu.memref_slice %arg4[%mul3A_22] : memref<320000xi32, #tpu.memory_space<hbm>> -> memref<128xi32, #tpu.memory_space<hbm>>
        tpu.enqueue_dma source(%dma_start3A_28 : memref<128xi32, #tpu.memory_space<hbm>>) target(%arg8 : memref<128xi32, #tpu.memory_space<vmem>>) target_semaphore(%run_scoped3A : memref<!tpu.dma_semaphore, #tpu.memory_space<semaphore_mem>>)
        %dma_wait3A_29 = tpu.memref_slice %arg4[%mul3A_22] : memref<320000xi32, #tpu.memory_space<hbm>> -> memref<128xi32, #tpu.memory_space<hbm>>
        %dma_wait3A_30 = tpu.memref_slice %arg4[%mul3A_22] : memref<320000xi32, #tpu.memory_space<hbm>> -> memref<128xi32, #tpu.memory_space<hbm>>
        tpu.wait_dma2 semaphore(%run_scoped3A : memref<!tpu.dma_semaphore, #tpu.memory_space<semaphore_mem>>) src(%dma_wait3A_30 : memref<128xi32, #tpu.memory_space<hbm>>) dst(%arg8 : memref<128xi32, #tpu.memory_space<vmem>>)
        tpu.yield
      }) : () -> ()
      %dma_start3A = arith.constant 0 : i32
      %dma_start3A_23 = arith.constant 0 : i32
      %dma_start3A_24 = tpu.memref_slice %arg2[%dma_start3A, %dma_start3A_23] : memref<10000x128xf32, #tpu.memory_space<hbm>> -> memref<10000x128xf32, #tpu.memory_space<hbm>>
      tpu.enqueue_indirect_dma source(%dma_start3A_24 : memref<10000x128xf32, #tpu.memory_space<hbm>>) target(%arg9 : memref<128x128xf32, #tpu.memory_space<vmem>>) offsets(%arg7 : memref<128xi32, #tpu.memory_space<vmem>>) semaphore(%arg11 : memref<!tpu.dma_semaphore, #tpu.memory_space<semaphore_mem>>)
      %dma_wait3A = arith.constant 0 : i32
      %dma_wait3A_25 = arith.constant 0 : i32
      %dma_wait3A_26 = tpu.memref_slice %arg2[%dma_wait3A, %dma_wait3A_25] : memref<10000x128xf32, #tpu.memory_space<hbm>> -> memref<10000x128xf32, #tpu.memory_space<hbm>>
      tpu.wait_indirect_dma semaphore(%arg11 : memref<!tpu.dma_semaphore, #tpu.memory_space<semaphore_mem>>) src(%dma_wait3A_26 : memref<10000x128xf32, #tpu.memory_space<hbm>>) dst(%arg9 : memref<128x128xf32, #tpu.memory_space<vmem>>)
      "tpu.region"() ({
        %run_scoped3A = tpu.sem_alloc : memref<!tpu.dma_semaphore, #tpu.memory_space<semaphore_mem>>
        %dma_start3A_27 = arith.constant 0 : i32
        %dma_start3A_28 = arith.constant 0 : i32
        %dma_start3A_29 = tpu.memref_slice %arg10[%dma_start3A_27, %dma_start3A_28] : memref<10112x128xf32, #tpu.memory_space<vmem_shared>> -> memref<10112x128xf32, #tpu.memory_space<vmem_shared>>
        tpu.enqueue_indirect_dma source(%arg9 : memref<128x128xf32, #tpu.memory_space<vmem>>) target(%dma_start3A_29 : memref<10112x128xf32, #tpu.memory_space<vmem_shared>>) offsets(%arg8 : memref<128xi32, #tpu.memory_space<vmem>>) semaphore(%run_scoped3A : memref<!tpu.dma_semaphore, #tpu.memory_space<semaphore_mem>>) {add = true}
        %dma_wait3A_30 = arith.constant 0 : i32
        %dma_wait3A_31 = arith.constant 0 : i32
        %dma_wait3A_32 = tpu.memref_slice %arg10[%dma_wait3A_30, %dma_wait3A_31] : memref<10112x128xf32, #tpu.memory_space<vmem_shared>> -> memref<10112x128xf32, #tpu.memory_space<vmem_shared>>
        tpu.wait_indirect_dma semaphore(%run_scoped3A : memref<!tpu.dma_semaphore, #tpu.memory_space<semaphore_mem>>) src(%arg9 : memref<128x128xf32, #tpu.memory_space<vmem>>) dst(%dma_wait3A_32 : memref<10112x128xf32, #tpu.memory_space<vmem_shared>>)
        tpu.yield
      }) : () -> ()
    }
    %barrier3A_16 = arith.constant 0 : index
    tpu.barrier barrier_id(%barrier3A_16)
    "tpu.region"() ({
      %run_scoped3A = tpu.sem_alloc : memref<!tpu.dma_semaphore, #tpu.memory_space<semaphore_mem>>
      %dma_start3A = arith.constant 0 : i32
      %dma_start3A_17 = tpu.memref_slice %arg6[%arg0, %mul3A_2, %dma_start3A] : memref<2x10112x128xf32, #tpu.memory_space<hbm>> -> memref<1x632x128xf32, #tpu.memory_space<hbm>>
      %dma_start3A_18 = tpu.memref_squeeze %dma_start3A_17 : memref<1x632x128xf32, #tpu.memory_space<hbm>> -> memref<632x128xf32, #tpu.memory_space<hbm>>
      %dma_start3A_19 = arith.constant 0 : i32
      %dma_start3A_20 = tpu.memref_slice %arg10[%mul3A_2, %dma_start3A_19] : memref<10112x128xf32, #tpu.memory_space<vmem_shared>> -> memref<632x128xf32, #tpu.memory_space<vmem_shared>>
      tpu.enqueue_dma source(%dma_start3A_20 : memref<632x128xf32, #tpu.memory_space<vmem_shared>>) target(%dma_start3A_18 : memref<632x128xf32, #tpu.memory_space<hbm>>) target_semaphore(%run_scoped3A : memref<!tpu.dma_semaphore, #tpu.memory_space<semaphore_mem>>)
      %dma_wait3A = arith.constant 0 : i32
      %dma_wait3A_21 = tpu.memref_slice %arg6[%arg0, %mul3A_2, %dma_wait3A] : memref<2x10112x128xf32, #tpu.memory_space<hbm>> -> memref<1x632x128xf32, #tpu.memory_space<hbm>>
      %dma_wait3A_22 = tpu.memref_squeeze %dma_wait3A_21 : memref<1x632x128xf32, #tpu.memory_space<hbm>> -> memref<632x128xf32, #tpu.memory_space<hbm>>
      %dma_wait3A_23 = arith.constant 0 : i32
      %dma_wait3A_24 = tpu.memref_slice %arg10[%mul3A_2, %dma_wait3A_23] : memref<10112x128xf32, #tpu.memory_space<vmem_shared>> -> memref<632x128xf32, #tpu.memory_space<vmem_shared>>
      tpu.wait_dma2 semaphore(%run_scoped3A : memref<!tpu.dma_semaphore, #tpu.memory_space<semaphore_mem>>) src(%dma_wait3A_24 : memref<632x128xf32, #tpu.memory_space<vmem_shared>>) dst(%dma_wait3A_22 : memref<632x128xf32, #tpu.memory_space<hbm>>)
      tpu.yield
    }) : () -> ()
    return
  }
}

#map = affine_map<(d0, d1) -> (0, 0)>
#map1 = affine_map<(d0, d1) -> (0)>
#map2 = affine_map<(d0, d1) -> (0, 0, 0)>
module attributes {stable_mosaic.version = 14 : i64} {
  func.func @segsum(%arg0: i32, %arg1: i32, %arg2: memref<10000x128xf32, #tpu.memory_space<hbm>>, %arg3: memref<320000xi32, #tpu.memory_space<hbm>>, %arg4: memref<320000xi32, #tpu.memory_space<hbm>>, %arg5: memref<10112x128xf32, #tpu.memory_space<hbm>>, %arg6: memref<2x10112x128xf32, #tpu.memory_space<hbm>>, %arg7: memref<128xi32, #tpu.memory_space<vmem>>, %arg8: memref<128xi32, #tpu.memory_space<vmem>>, %arg9: memref<128x128xf32, #tpu.memory_space<vmem>>, %arg10: memref<10112x128xf32, #tpu.memory_space<vmem_shared>>, %arg11: memref<!tpu.dma_semaphore, #tpu.memory_space<semaphore_mem>>) attributes {dimension_semantics = [#tpu.dimension_semantics<core_parallel>, #tpu.dimension_semantics<subcore_parallel>], iteration_bounds = array<i64: 2, 16>, scalar_prefetch = 0 : i64, scratch_operands = 5 : i64, tpu.core_type = #tpu.core_type<sc_vector_subcore>, window_params = [{transform_indices = #map}, {transform_indices = #map1}, {transform_indices = #map1}, {transform_indices = #map}, {transform_indices = #map2}]} {
    %mul3A = arith.constant 2 : i32
    %mul3A_0 = arith.muli %arg1, %mul3A : i32
    %add3A = arith.addi %mul3A_0, %arg0 : i32
    %mul3A_1 = arith.constant 632 : i32
    %mul3A_2 = arith.muli %arg1, %mul3A_1 : i32
    "tpu.region"() ({
      %run_scoped3A = tpu.sem_alloc : memref<!tpu.dma_semaphore, #tpu.memory_space<semaphore_mem>>
      %dma_start3A = arith.constant 0 : i32
      %dma_start3A_17 = tpu.memref_slice %arg10[%mul3A_2, %dma_start3A] : memref<10112x128xf32, #tpu.memory_space<vmem_shared>> -> memref<632x128xf32, #tpu.memory_space<vmem_shared>>
      %dma_start3A_18 = arith.constant 0 : i32
      %dma_start3A_19 = tpu.memref_slice %arg5[%mul3A_2, %dma_start3A_18] : memref<10112x128xf32, #tpu.memory_space<hbm>> -> memref<632x128xf32, #tpu.memory_space<hbm>>
      tpu.enqueue_dma source(%dma_start3A_19 : memref<632x128xf32, #tpu.memory_space<hbm>>) target(%dma_start3A_17 : memref<632x128xf32, #tpu.memory_space<vmem_shared>>) target_semaphore(%run_scoped3A : memref<!tpu.dma_semaphore, #tpu.memory_space<semaphore_mem>>)
      %dma_wait3A = arith.constant 0 : i32
      %dma_wait3A_20 = tpu.memref_slice %arg10[%mul3A_2, %dma_wait3A] : memref<10112x128xf32, #tpu.memory_space<vmem_shared>> -> memref<632x128xf32, #tpu.memory_space<vmem_shared>>
      %dma_wait3A_21 = arith.constant 0 : i32
      %dma_wait3A_22 = tpu.memref_slice %arg5[%mul3A_2, %dma_wait3A_21] : memref<10112x128xf32, #tpu.memory_space<hbm>> -> memref<632x128xf32, #tpu.memory_space<hbm>>
      tpu.wait_dma2 semaphore(%run_scoped3A : memref<!tpu.dma_semaphore, #tpu.memory_space<semaphore_mem>>) src(%dma_wait3A_22 : memref<632x128xf32, #tpu.memory_space<hbm>>) dst(%dma_wait3A_20 : memref<632x128xf32, #tpu.memory_space<vmem_shared>>)
      tpu.yield
    }) : () -> ()
    %barrier3A = arith.constant 0 : index
    tpu.barrier barrier_id(%barrier3A)
    %lt3A = arith.constant 4 : i32
    %lt3A_3 = arith.cmpi slt, %add3A, %lt3A : i32
    %jit3A = arith.constant 1 : i32
    %jit3A_4 = arith.constant 0 : i32
    %select_n3A = arith.select %lt3A_3, %jit3A, %jit3A_4 : i32
    %add3A_5 = arith.constant 78 : i32
    %add3A_6 = arith.addi %add3A_5, %select_n3A : i32
    %while3A = arith.constant 0 : i32
    %while3A_7 = arith.constant 0 : i32
    %while3A_8 = arith.subi %add3A_6, %while3A_7 : i32
    %while3A_9 = arith.addi %while3A_7, %while3A_8 : i32
    %while3A_10 = arith.constant 1 : i32
    %while3A_11 = arith.divsi %while3A_8, %while3A_10 : i32
    %while3A_12 = arith.muli %while3A_11, %while3A_10 : i32
    %while3A_13 = arith.addi %while3A_7, %while3A_12 : i32
    %while3A_14 = arith.constant 1 : i32
    scf.for %while3A_17 = %while3A_7 to %while3A_13 step %while3A_14  : i32 {
      %mul3A_18 = arith.constant 32 : i32
      %mul3A_19 = arith.muli %while3A_17, %mul3A_18 : i32
      %add3A_20 = arith.addi %add3A, %mul3A_19 : i32
      %mul3A_21 = arith.constant 128 : i32
      %mul3A_22 = arith.muli %add3A_20, %mul3A_21 : i32
      "tpu.region"() ({
        %run_scoped3A = tpu.sem_alloc : memref<!tpu.dma_semaphore, #tpu.memory_space<semaphore_mem>>
        %dma_start3A_27 = tpu.memref_slice %arg3[%mul3A_22] : memref<320000xi32, #tpu.memory_space<hbm>> -> memref<128xi32, #tpu.memory_space<hbm>>
        %dma_start3A_28 = tpu.memref_slice %arg3[%mul3A_22] : memref<320000xi32, #tpu.memory_space<hbm>> -> memref<128xi32, #tpu.memory_space<hbm>>
        tpu.enqueue_dma source(%dma_start3A_28 : memref<128xi32, #tpu.memory_space<hbm>>) target(%arg7 : memref<128xi32, #tpu.memory_space<vmem>>) target_semaphore(%run_scoped3A : memref<!tpu.dma_semaphore, #tpu.memory_space<semaphore_mem>>)
        %dma_wait3A_29 = tpu.memref_slice %arg3[%mul3A_22] : memref<320000xi32, #tpu.memory_space<hbm>> -> memref<128xi32, #tpu.memory_space<hbm>>
        %dma_wait3A_30 = tpu.memref_slice %arg3[%mul3A_22] : memref<320000xi32, #tpu.memory_space<hbm>> -> memref<128xi32, #tpu.memory_space<hbm>>
        tpu.wait_dma2 semaphore(%run_scoped3A : memref<!tpu.dma_semaphore, #tpu.memory_space<semaphore_mem>>) src(%dma_wait3A_30 : memref<128xi32, #tpu.memory_space<hbm>>) dst(%arg7 : memref<128xi32, #tpu.memory_space<vmem>>)
        tpu.yield
      }) : () -> ()
      "tpu.region"() ({
        %run_scoped3A = tpu.sem_alloc : memref<!tpu.dma_semaphore, #tpu.memory_space<semaphore_mem>>
        %dma_start3A_27 = tpu.memref_slice %arg4[%mul3A_22] : memref<320000xi32, #tpu.memory_space<hbm>> -> memref<128xi32, #tpu.memory_space<hbm>>
        %dma_start3A_28 = tpu.memref_slice %arg4[%mul3A_22] : memref<320000xi32, #tpu.memory_space<hbm>> -> memref<128xi32, #tpu.memory_space<hbm>>
        tpu.enqueue_dma source(%dma_start3A_28 : memref<128xi32, #tpu.memory_space<hbm>>) target(%arg8 : memref<128xi32, #tpu.memory_space<vmem>>) target_semaphore(%run_scoped3A : memref<!tpu.dma_semaphore, #tpu.memory_space<semaphore_mem>>)
        %dma_wait3A_29 = tpu.memref_slice %arg4[%mul3A_22] : memref<320000xi32, #tpu.memory_space<hbm>> -> memref<128xi32, #tpu.memory_space<hbm>>
        %dma_wait3A_30 = tpu.memref_slice %arg4[%mul3A_22] : memref<320000xi32, #tpu.memory_space<hbm>> -> memref<128xi32, #tpu.memory_space<hbm>>
        tpu.wait_dma2 semaphore(%run_scoped3A : memref<!tpu.dma_semaphore, #tpu.memory_space<semaphore_mem>>) src(%dma_wait3A_30 : memref<128xi32, #tpu.memory_space<hbm>>) dst(%arg8 : memref<128xi32, #tpu.memory_space<vmem>>)
        tpu.yield
      }) : () -> ()
      %dma_start3A = arith.constant 0 : i32
      %dma_start3A_23 = arith.constant 0 : i32
      %dma_start3A_24 = tpu.memref_slice %arg2[%dma_start3A, %dma_start3A_23] : memref<10000x128xf32, #tpu.memory_space<hbm>> -> memref<10000x128xf32, #tpu.memory_space<hbm>>
      tpu.enqueue_indirect_dma source(%dma_start3A_24 : memref<10000x128xf32, #tpu.memory_space<hbm>>) target(%arg9 : memref<128x128xf32, #tpu.memory_space<vmem>>) offsets(%arg7 : memref<128xi32, #tpu.memory_space<vmem>>) semaphore(%arg11 : memref<!tpu.dma_semaphore, #tpu.memory_space<semaphore_mem>>)
      %dma_wait3A = arith.constant 0 : i32
      %dma_wait3A_25 = arith.constant 0 : i32
      %dma_wait3A_26 = tpu.memref_slice %arg2[%dma_wait3A, %dma_wait3A_25] : memref<10000x128xf32, #tpu.memory_space<hbm>> -> memref<10000x128xf32, #tpu.memory_space<hbm>>
      tpu.wait_indirect_dma semaphore(%arg11 : memref<!tpu.dma_semaphore, #tpu.memory_space<semaphore_mem>>) src(%dma_wait3A_26 : memref<10000x128xf32, #tpu.memory_space<hbm>>) dst(%arg9 : memref<128x128xf32, #tpu.memory_space<vmem>>)
      "tpu.region"() ({
        %run_scoped3A = tpu.sem_alloc : memref<!tpu.dma_semaphore, #tpu.memory_space<semaphore_mem>>
        %dma_start3A_27 = arith.constant 0 : i32
        %dma_start3A_28 = arith.constant 0 : i32
        %dma_start3A_29 = tpu.memref_slice %arg10[%dma_start3A_27, %dma_start3A_28] : memref<10112x128xf32, #tpu.memory_space<vmem_shared>> -> memref<10112x128xf32, #tpu.memory_space<vmem_shared>>
        tpu.enqueue_indirect_dma source(%arg9 : memref<128x128xf32, #tpu.memory_space<vmem>>) target(%dma_start3A_29 : memref<10112x128xf32, #tpu.memory_space<vmem_shared>>) offsets(%arg8 : memref<128xi32, #tpu.memory_space<vmem>>) semaphore(%run_scoped3A : memref<!tpu.dma_semaphore, #tpu.memory_space<semaphore_mem>>) {add = true}
        %dma_wait3A_30 = arith.constant 0 : i32
        %dma_wait3A_31 = arith.constant 0 : i32
        %dma_wait3A_32 = tpu.memref_slice %arg10[%dma_wait3A_30, %dma_wait3A_31] : memref<10112x128xf32, #tpu.memory_space<vmem_shared>> -> memref<10112x128xf32, #tpu.memory_space<vmem_shared>>
        tpu.wait_indirect_dma semaphore(%run_scoped3A : memref<!tpu.dma_semaphore, #tpu.memory_space<semaphore_mem>>) src(%arg9 : memref<128x128xf32, #tpu.memory_space<vmem>>) dst(%dma_wait3A_32 : memref<10112x128xf32, #tpu.memory_space<vmem_shared>>)
        tpu.yield
      }) : () -> ()
    }
    %while3A_15 = arith.constant 1 : i32
    scf.for %while3A_17 = %while3A_13 to %while3A_9 step %while3A_15  : i32 {
      %mul3A_18 = arith.constant 32 : i32
      %mul3A_19 = arith.muli %while3A_17, %mul3A_18 : i32
      %add3A_20 = arith.addi %add3A, %mul3A_19 : i32
      %mul3A_21 = arith.constant 128 : i32
      %mul3A_22 = arith.muli %add3A_20, %mul3A_21 : i32
      "tpu.region"() ({
        %run_scoped3A = tpu.sem_alloc : memref<!tpu.dma_semaphore, #tpu.memory_space<semaphore_mem>>
        %dma_start3A_27 = tpu.memref_slice %arg3[%mul3A_22] : memref<320000xi32, #tpu.memory_space<hbm>> -> memref<128xi32, #tpu.memory_space<hbm>>
        %dma_start3A_28 = tpu.memref_slice %arg3[%mul3A_22] : memref<320000xi32, #tpu.memory_space<hbm>> -> memref<128xi32, #tpu.memory_space<hbm>>
        tpu.enqueue_dma source(%dma_start3A_28 : memref<128xi32, #tpu.memory_space<hbm>>) target(%arg7 : memref<128xi32, #tpu.memory_space<vmem>>) target_semaphore(%run_scoped3A : memref<!tpu.dma_semaphore, #tpu.memory_space<semaphore_mem>>)
        %dma_wait3A_29 = tpu.memref_slice %arg3[%mul3A_22] : memref<320000xi32, #tpu.memory_space<hbm>> -> memref<128xi32, #tpu.memory_space<hbm>>
        %dma_wait3A_30 = tpu.memref_slice %arg3[%mul3A_22] : memref<320000xi32, #tpu.memory_space<hbm>> -> memref<128xi32, #tpu.memory_space<hbm>>
        tpu.wait_dma2 semaphore(%run_scoped3A : memref<!tpu.dma_semaphore, #tpu.memory_space<semaphore_mem>>) src(%dma_wait3A_30 : memref<128xi32, #tpu.memory_space<hbm>>) dst(%arg7 : memref<128xi32, #tpu.memory_space<vmem>>)
        tpu.yield
      }) : () -> ()
      "tpu.region"() ({
        %run_scoped3A = tpu.sem_alloc : memref<!tpu.dma_semaphore, #tpu.memory_space<semaphore_mem>>
        %dma_start3A_27 = tpu.memref_slice %arg4[%mul3A_22] : memref<320000xi32, #tpu.memory_space<hbm>> -> memref<128xi32, #tpu.memory_space<hbm>>
        %dma_start3A_28 = tpu.memref_slice %arg4[%mul3A_22] : memref<320000xi32, #tpu.memory_space<hbm>> -> memref<128xi32, #tpu.memory_space<hbm>>
        tpu.enqueue_dma source(%dma_start3A_28 : memref<128xi32, #tpu.memory_space<hbm>>) target(%arg8 : memref<128xi32, #tpu.memory_space<vmem>>) target_semaphore(%run_scoped3A : memref<!tpu.dma_semaphore, #tpu.memory_space<semaphore_mem>>)
        %dma_wait3A_29 = tpu.memref_slice %arg4[%mul3A_22] : memref<320000xi32, #tpu.memory_space<hbm>> -> memref<128xi32, #tpu.memory_space<hbm>>
        %dma_wait3A_30 = tpu.memref_slice %arg4[%mul3A_22] : memref<320000xi32, #tpu.memory_space<hbm>> -> memref<128xi32, #tpu.memory_space<hbm>>
        tpu.wait_dma2 semaphore(%run_scoped3A : memref<!tpu.dma_semaphore, #tpu.memory_space<semaphore_mem>>) src(%dma_wait3A_30 : memref<128xi32, #tpu.memory_space<hbm>>) dst(%arg8 : memref<128xi32, #tpu.memory_space<vmem>>)
        tpu.yield
      }) : () -> ()
      %dma_start3A = arith.constant 0 : i32
      %dma_start3A_23 = arith.constant 0 : i32
      %dma_start3A_24 = tpu.memref_slice %arg2[%dma_start3A, %dma_start3A_23] : memref<10000x128xf32, #tpu.memory_space<hbm>> -> memref<10000x128xf32, #tpu.memory_space<hbm>>
      tpu.enqueue_indirect_dma source(%dma_start3A_24 : memref<10000x128xf32, #tpu.memory_space<hbm>>) target(%arg9 : memref<128x128xf32, #tpu.memory_space<vmem>>) offsets(%arg7 : memref<128xi32, #tpu.memory_space<vmem>>) semaphore(%arg11 : memref<!tpu.dma_semaphore, #tpu.memory_space<semaphore_mem>>)
      %dma_wait3A = arith.constant 0 : i32
      %dma_wait3A_25 = arith.constant 0 : i32
      %dma_wait3A_26 = tpu.memref_slice %arg2[%dma_wait3A, %dma_wait3A_25] : memref<10000x128xf32, #tpu.memory_space<hbm>> -> memref<10000x128xf32, #tpu.memory_space<hbm>>
      tpu.wait_indirect_dma semaphore(%arg11 : memref<!tpu.dma_semaphore, #tpu.memory_space<semaphore_mem>>) src(%dma_wait3A_26 : memref<10000x128xf32, #tpu.memory_space<hbm>>) dst(%arg9 : memref<128x128xf32, #tpu.memory_space<vmem>>)
      "tpu.region"() ({
        %run_scoped3A = tpu.sem_alloc : memref<!tpu.dma_semaphore, #tpu.memory_space<semaphore_mem>>
        %dma_start3A_27 = arith.constant 0 : i32
        %dma_start3A_28 = arith.constant 0 : i32
        %dma_start3A_29 = tpu.memref_slice %arg10[%dma_start3A_27, %dma_start3A_28] : memref<10112x128xf32, #tpu.memory_space<vmem_shared>> -> memref<10112x128xf32, #tpu.memory_space<vmem_shared>>
        tpu.enqueue_indirect_dma source(%arg9 : memref<128x128xf32, #tpu.memory_space<vmem>>) target(%dma_start3A_29 : memref<10112x128xf32, #tpu.memory_space<vmem_shared>>) offsets(%arg8 : memref<128xi32, #tpu.memory_space<vmem>>) semaphore(%run_scoped3A : memref<!tpu.dma_semaphore, #tpu.memory_space<semaphore_mem>>) {add = true}
        %dma_wait3A_30 = arith.constant 0 : i32
        %dma_wait3A_31 = arith.constant 0 : i32
        %dma_wait3A_32 = tpu.memref_slice %arg10[%dma_wait3A_30, %dma_wait3A_31] : memref<10112x128xf32, #tpu.memory_space<vmem_shared>> -> memref<10112x128xf32, #tpu.memory_space<vmem_shared>>
        tpu.wait_indirect_dma semaphore(%run_scoped3A : memref<!tpu.dma_semaphore, #tpu.memory_space<semaphore_mem>>) src(%arg9 : memref<128x128xf32, #tpu.memory_space<vmem>>) dst(%dma_wait3A_32 : memref<10112x128xf32, #tpu.memory_space<vmem_shared>>)
        tpu.yield
      }) : () -> ()
    }
    %barrier3A_16 = arith.constant 0 : index
    tpu.barrier barrier_id(%barrier3A_16)
    "tpu.region"() ({
      %run_scoped3A = tpu.sem_alloc : memref<!tpu.dma_semaphore, #tpu.memory_space<semaphore_mem>>
      %dma_start3A = arith.constant 0 : i32
      %dma_start3A_17 = tpu.memref_slice %arg6[%arg0, %mul3A_2, %dma_start3A] : memref<2x10112x128xf32, #tpu.memory_space<hbm>> -> memref<1x632x128xf32, #tpu.memory_space<hbm>>
      %dma_start3A_18 = tpu.memref_squeeze %dma_start3A_17 : memref<1x632x128xf32, #tpu.memory_space<hbm>> -> memref<632x128xf32, #tpu.memory_space<hbm>>
      %dma_start3A_19 = arith.constant 0 : i32
      %dma_start3A_20 = tpu.memref_slice %arg10[%mul3A_2, %dma_start3A_19] : memref<10112x128xf32, #tpu.memory_space<vmem_shared>> -> memref<632x128xf32, #tpu.memory_space<vmem_shared>>
      tpu.enqueue_dma source(%dma_start3A_20 : memref<632x128xf32, #tpu.memory_space<vmem_shared>>) target(%dma_start3A_18 : memref<632x128xf32, #tpu.memory_space<hbm>>) target_semaphore(%run_scoped3A : memref<!tpu.dma_semaphore, #tpu.memory_space<semaphore_mem>>)
      %dma_wait3A = arith.constant 0 : i32
      %dma_wait3A_21 = tpu.memref_slice %arg6[%arg0, %mul3A_2, %dma_wait3A] : memref<2x10112x128xf32, #tpu.memory_space<hbm>> -> memref<1x632x128xf32, #tpu.memory_space<hbm>>
      %dma_wait3A_22 = tpu.memref_squeeze %dma_wait3A_21 : memref<1x632x128xf32, #tpu.memory_space<hbm>> -> memref<632x128xf32, #tpu.memory_space<hbm>>
      %dma_wait3A_23 = arith.constant 0 : i32
      %dma_wait3A_24 = tpu.memref_slice %arg10[%mul3A_2, %dma_wait3A_23] : memref<10112x128xf32, #tpu.memory_space<vmem_shared>> -> memref<632x128xf32, #tpu.memory_space<vmem_shared>>
      tpu.wait_dma2 semaphore(%run_scoped3A : memref<!tpu.dma_semaphore, #tpu.memory_space<semaphore_mem>>) src(%dma_wait3A_24 : memref<632x128xf32, #tpu.memory_space<vmem_shared>>) dst(%dma_wait3A_22 : memref<632x128xf32, #tpu.memory_space<hbm>>)
      tpu.yield
    }) : () -> ()
    return
  }
}

#map = affine_map<(d0, d1) -> (0, 0)>
#map1 = affine_map<(d0, d1) -> (0)>
#map2 = affine_map<(d0, d1) -> (0, 0, 0)>
module attributes {stable_mosaic.version = 14 : i64} {
  func.func @segsum(%arg0: i32, %arg1: i32, %arg2: memref<10000x128xf32, #tpu.memory_space<hbm>>, %arg3: memref<10112xi32, #tpu.memory_space<hbm>>, %arg4: memref<10112xi32, #tpu.memory_space<hbm>>, %arg5: memref<128x128xf32, #tpu.memory_space<hbm>>, %arg6: memref<2x128x128xf32, #tpu.memory_space<hbm>>, %arg7: memref<128xi32, #tpu.memory_space<vmem>>, %arg8: memref<128xi32, #tpu.memory_space<vmem>>, %arg9: memref<128x128xf32, #tpu.memory_space<vmem>>, %arg10: memref<128x128xf32, #tpu.memory_space<vmem_shared>>, %arg11: memref<!tpu.dma_semaphore, #tpu.memory_space<semaphore_mem>>) attributes {dimension_semantics = [#tpu.dimension_semantics<core_parallel>, #tpu.dimension_semantics<subcore_parallel>], iteration_bounds = array<i64: 2, 16>, scalar_prefetch = 0 : i64, scratch_operands = 5 : i64, tpu.core_type = #tpu.core_type<sc_vector_subcore>, window_params = [{transform_indices = #map}, {transform_indices = #map1}, {transform_indices = #map1}, {transform_indices = #map}, {transform_indices = #map2}]} {
    %mul3A = arith.constant 2 : i32
    %mul3A_0 = arith.muli %arg1, %mul3A : i32
    %add3A = arith.addi %mul3A_0, %arg0 : i32
    %mul3A_1 = arith.constant 8 : i32
    %mul3A_2 = arith.muli %arg1, %mul3A_1 : i32
    "tpu.region"() ({
      %run_scoped3A = tpu.sem_alloc : memref<!tpu.dma_semaphore, #tpu.memory_space<semaphore_mem>>
      %dma_start3A = arith.constant 0 : i32
      %dma_start3A_17 = tpu.memref_slice %arg10[%mul3A_2, %dma_start3A] : memref<128x128xf32, #tpu.memory_space<vmem_shared>> -> memref<8x128xf32, #tpu.memory_space<vmem_shared>>
      %dma_start3A_18 = arith.constant 0 : i32
      %dma_start3A_19 = tpu.memref_slice %arg5[%mul3A_2, %dma_start3A_18] : memref<128x128xf32, #tpu.memory_space<hbm>> -> memref<8x128xf32, #tpu.memory_space<hbm>>
      tpu.enqueue_dma source(%dma_start3A_19 : memref<8x128xf32, #tpu.memory_space<hbm>>) target(%dma_start3A_17 : memref<8x128xf32, #tpu.memory_space<vmem_shared>>) target_semaphore(%run_scoped3A : memref<!tpu.dma_semaphore, #tpu.memory_space<semaphore_mem>>)
      %dma_wait3A = arith.constant 0 : i32
      %dma_wait3A_20 = tpu.memref_slice %arg10[%mul3A_2, %dma_wait3A] : memref<128x128xf32, #tpu.memory_space<vmem_shared>> -> memref<8x128xf32, #tpu.memory_space<vmem_shared>>
      %dma_wait3A_21 = arith.constant 0 : i32
      %dma_wait3A_22 = tpu.memref_slice %arg5[%mul3A_2, %dma_wait3A_21] : memref<128x128xf32, #tpu.memory_space<hbm>> -> memref<8x128xf32, #tpu.memory_space<hbm>>
      tpu.wait_dma2 semaphore(%run_scoped3A : memref<!tpu.dma_semaphore, #tpu.memory_space<semaphore_mem>>) src(%dma_wait3A_22 : memref<8x128xf32, #tpu.memory_space<hbm>>) dst(%dma_wait3A_20 : memref<8x128xf32, #tpu.memory_space<vmem_shared>>)
      tpu.yield
    }) : () -> ()
    %barrier3A = arith.constant 0 : index
    tpu.barrier barrier_id(%barrier3A)
    %lt3A = arith.constant 15 : i32
    %lt3A_3 = arith.cmpi slt, %add3A, %lt3A : i32
    %jit3A = arith.constant 1 : i32
    %jit3A_4 = arith.constant 0 : i32
    %select_n3A = arith.select %lt3A_3, %jit3A, %jit3A_4 : i32
    %add3A_5 = arith.constant 2 : i32
    %add3A_6 = arith.addi %add3A_5, %select_n3A : i32
    %while3A = arith.constant 0 : i32
    %while3A_7 = arith.constant 0 : i32
    %while3A_8 = arith.subi %add3A_6, %while3A_7 : i32
    %while3A_9 = arith.addi %while3A_7, %while3A_8 : i32
    %while3A_10 = arith.constant 1 : i32
    %while3A_11 = arith.divsi %while3A_8, %while3A_10 : i32
    %while3A_12 = arith.muli %while3A_11, %while3A_10 : i32
    %while3A_13 = arith.addi %while3A_7, %while3A_12 : i32
    %while3A_14 = arith.constant 1 : i32
    scf.for %while3A_17 = %while3A_7 to %while3A_13 step %while3A_14  : i32 {
      %mul3A_18 = arith.constant 32 : i32
      %mul3A_19 = arith.muli %while3A_17, %mul3A_18 : i32
      %add3A_20 = arith.addi %add3A, %mul3A_19 : i32
      %mul3A_21 = arith.constant 128 : i32
      %mul3A_22 = arith.muli %add3A_20, %mul3A_21 : i32
      "tpu.region"() ({
        %run_scoped3A = tpu.sem_alloc : memref<!tpu.dma_semaphore, #tpu.memory_space<semaphore_mem>>
        %dma_start3A_27 = tpu.memref_slice %arg3[%mul3A_22] : memref<10112xi32, #tpu.memory_space<hbm>> -> memref<128xi32, #tpu.memory_space<hbm>>
        %dma_start3A_28 = tpu.memref_slice %arg3[%mul3A_22] : memref<10112xi32, #tpu.memory_space<hbm>> -> memref<128xi32, #tpu.memory_space<hbm>>
        tpu.enqueue_dma source(%dma_start3A_28 : memref<128xi32, #tpu.memory_space<hbm>>) target(%arg7 : memref<128xi32, #tpu.memory_space<vmem>>) target_semaphore(%run_scoped3A : memref<!tpu.dma_semaphore, #tpu.memory_space<semaphore_mem>>)
        %dma_wait3A_29 = tpu.memref_slice %arg3[%mul3A_22] : memref<10112xi32, #tpu.memory_space<hbm>> -> memref<128xi32, #tpu.memory_space<hbm>>
        %dma_wait3A_30 = tpu.memref_slice %arg3[%mul3A_22] : memref<10112xi32, #tpu.memory_space<hbm>> -> memref<128xi32, #tpu.memory_space<hbm>>
        tpu.wait_dma2 semaphore(%run_scoped3A : memref<!tpu.dma_semaphore, #tpu.memory_space<semaphore_mem>>) src(%dma_wait3A_30 : memref<128xi32, #tpu.memory_space<hbm>>) dst(%arg7 : memref<128xi32, #tpu.memory_space<vmem>>)
        tpu.yield
      }) : () -> ()
      "tpu.region"() ({
        %run_scoped3A = tpu.sem_alloc : memref<!tpu.dma_semaphore, #tpu.memory_space<semaphore_mem>>
        %dma_start3A_27 = tpu.memref_slice %arg4[%mul3A_22] : memref<10112xi32, #tpu.memory_space<hbm>> -> memref<128xi32, #tpu.memory_space<hbm>>
        %dma_start3A_28 = tpu.memref_slice %arg4[%mul3A_22] : memref<10112xi32, #tpu.memory_space<hbm>> -> memref<128xi32, #tpu.memory_space<hbm>>
        tpu.enqueue_dma source(%dma_start3A_28 : memref<128xi32, #tpu.memory_space<hbm>>) target(%arg8 : memref<128xi32, #tpu.memory_space<vmem>>) target_semaphore(%run_scoped3A : memref<!tpu.dma_semaphore, #tpu.memory_space<semaphore_mem>>)
        %dma_wait3A_29 = tpu.memref_slice %arg4[%mul3A_22] : memref<10112xi32, #tpu.memory_space<hbm>> -> memref<128xi32, #tpu.memory_space<hbm>>
        %dma_wait3A_30 = tpu.memref_slice %arg4[%mul3A_22] : memref<10112xi32, #tpu.memory_space<hbm>> -> memref<128xi32, #tpu.memory_space<hbm>>
        tpu.wait_dma2 semaphore(%run_scoped3A : memref<!tpu.dma_semaphore, #tpu.memory_space<semaphore_mem>>) src(%dma_wait3A_30 : memref<128xi32, #tpu.memory_space<hbm>>) dst(%arg8 : memref<128xi32, #tpu.memory_space<vmem>>)
        tpu.yield
      }) : () -> ()
      %dma_start3A = arith.constant 0 : i32
      %dma_start3A_23 = arith.constant 0 : i32
      %dma_start3A_24 = tpu.memref_slice %arg2[%dma_start3A, %dma_start3A_23] : memref<10000x128xf32, #tpu.memory_space<hbm>> -> memref<10000x128xf32, #tpu.memory_space<hbm>>
      tpu.enqueue_indirect_dma source(%dma_start3A_24 : memref<10000x128xf32, #tpu.memory_space<hbm>>) target(%arg9 : memref<128x128xf32, #tpu.memory_space<vmem>>) offsets(%arg7 : memref<128xi32, #tpu.memory_space<vmem>>) semaphore(%arg11 : memref<!tpu.dma_semaphore, #tpu.memory_space<semaphore_mem>>)
      %dma_wait3A = arith.constant 0 : i32
      %dma_wait3A_25 = arith.constant 0 : i32
      %dma_wait3A_26 = tpu.memref_slice %arg2[%dma_wait3A, %dma_wait3A_25] : memref<10000x128xf32, #tpu.memory_space<hbm>> -> memref<10000x128xf32, #tpu.memory_space<hbm>>
      tpu.wait_indirect_dma semaphore(%arg11 : memref<!tpu.dma_semaphore, #tpu.memory_space<semaphore_mem>>) src(%dma_wait3A_26 : memref<10000x128xf32, #tpu.memory_space<hbm>>) dst(%arg9 : memref<128x128xf32, #tpu.memory_space<vmem>>)
      "tpu.region"() ({
        %run_scoped3A = tpu.sem_alloc : memref<!tpu.dma_semaphore, #tpu.memory_space<semaphore_mem>>
        %dma_start3A_27 = arith.constant 0 : i32
        %dma_start3A_28 = arith.constant 0 : i32
        %dma_start3A_29 = tpu.memref_slice %arg10[%dma_start3A_27, %dma_start3A_28] : memref<128x128xf32, #tpu.memory_space<vmem_shared>> -> memref<128x128xf32, #tpu.memory_space<vmem_shared>>
        tpu.enqueue_indirect_dma source(%arg9 : memref<128x128xf32, #tpu.memory_space<vmem>>) target(%dma_start3A_29 : memref<128x128xf32, #tpu.memory_space<vmem_shared>>) offsets(%arg8 : memref<128xi32, #tpu.memory_space<vmem>>) semaphore(%run_scoped3A : memref<!tpu.dma_semaphore, #tpu.memory_space<semaphore_mem>>) {add = true}
        %dma_wait3A_30 = arith.constant 0 : i32
        %dma_wait3A_31 = arith.constant 0 : i32
        %dma_wait3A_32 = tpu.memref_slice %arg10[%dma_wait3A_30, %dma_wait3A_31] : memref<128x128xf32, #tpu.memory_space<vmem_shared>> -> memref<128x128xf32, #tpu.memory_space<vmem_shared>>
        tpu.wait_indirect_dma semaphore(%run_scoped3A : memref<!tpu.dma_semaphore, #tpu.memory_space<semaphore_mem>>) src(%arg9 : memref<128x128xf32, #tpu.memory_space<vmem>>) dst(%dma_wait3A_32 : memref<128x128xf32, #tpu.memory_space<vmem_shared>>)
        tpu.yield
      }) : () -> ()
    }
    %while3A_15 = arith.constant 1 : i32
    scf.for %while3A_17 = %while3A_13 to %while3A_9 step %while3A_15  : i32 {
      %mul3A_18 = arith.constant 32 : i32
      %mul3A_19 = arith.muli %while3A_17, %mul3A_18 : i32
      %add3A_20 = arith.addi %add3A, %mul3A_19 : i32
      %mul3A_21 = arith.constant 128 : i32
      %mul3A_22 = arith.muli %add3A_20, %mul3A_21 : i32
      "tpu.region"() ({
        %run_scoped3A = tpu.sem_alloc : memref<!tpu.dma_semaphore, #tpu.memory_space<semaphore_mem>>
        %dma_start3A_27 = tpu.memref_slice %arg3[%mul3A_22] : memref<10112xi32, #tpu.memory_space<hbm>> -> memref<128xi32, #tpu.memory_space<hbm>>
        %dma_start3A_28 = tpu.memref_slice %arg3[%mul3A_22] : memref<10112xi32, #tpu.memory_space<hbm>> -> memref<128xi32, #tpu.memory_space<hbm>>
        tpu.enqueue_dma source(%dma_start3A_28 : memref<128xi32, #tpu.memory_space<hbm>>) target(%arg7 : memref<128xi32, #tpu.memory_space<vmem>>) target_semaphore(%run_scoped3A : memref<!tpu.dma_semaphore, #tpu.memory_space<semaphore_mem>>)
        %dma_wait3A_29 = tpu.memref_slice %arg3[%mul3A_22] : memref<10112xi32, #tpu.memory_space<hbm>> -> memref<128xi32, #tpu.memory_space<hbm>>
        %dma_wait3A_30 = tpu.memref_slice %arg3[%mul3A_22] : memref<10112xi32, #tpu.memory_space<hbm>> -> memref<128xi32, #tpu.memory_space<hbm>>
        tpu.wait_dma2 semaphore(%run_scoped3A : memref<!tpu.dma_semaphore, #tpu.memory_space<semaphore_mem>>) src(%dma_wait3A_30 : memref<128xi32, #tpu.memory_space<hbm>>) dst(%arg7 : memref<128xi32, #tpu.memory_space<vmem>>)
        tpu.yield
      }) : () -> ()
      "tpu.region"() ({
        %run_scoped3A = tpu.sem_alloc : memref<!tpu.dma_semaphore, #tpu.memory_space<semaphore_mem>>
        %dma_start3A_27 = tpu.memref_slice %arg4[%mul3A_22] : memref<10112xi32, #tpu.memory_space<hbm>> -> memref<128xi32, #tpu.memory_space<hbm>>
        %dma_start3A_28 = tpu.memref_slice %arg4[%mul3A_22] : memref<10112xi32, #tpu.memory_space<hbm>> -> memref<128xi32, #tpu.memory_space<hbm>>
        tpu.enqueue_dma source(%dma_start3A_28 : memref<128xi32, #tpu.memory_space<hbm>>) target(%arg8 : memref<128xi32, #tpu.memory_space<vmem>>) target_semaphore(%run_scoped3A : memref<!tpu.dma_semaphore, #tpu.memory_space<semaphore_mem>>)
        %dma_wait3A_29 = tpu.memref_slice %arg4[%mul3A_22] : memref<10112xi32, #tpu.memory_space<hbm>> -> memref<128xi32, #tpu.memory_space<hbm>>
        %dma_wait3A_30 = tpu.memref_slice %arg4[%mul3A_22] : memref<10112xi32, #tpu.memory_space<hbm>> -> memref<128xi32, #tpu.memory_space<hbm>>
        tpu.wait_dma2 semaphore(%run_scoped3A : memref<!tpu.dma_semaphore, #tpu.memory_space<semaphore_mem>>) src(%dma_wait3A_30 : memref<128xi32, #tpu.memory_space<hbm>>) dst(%arg8 : memref<128xi32, #tpu.memory_space<vmem>>)
        tpu.yield
      }) : () -> ()
      %dma_start3A = arith.constant 0 : i32
      %dma_start3A_23 = arith.constant 0 : i32
      %dma_start3A_24 = tpu.memref_slice %arg2[%dma_start3A, %dma_start3A_23] : memref<10000x128xf32, #tpu.memory_space<hbm>> -> memref<10000x128xf32, #tpu.memory_space<hbm>>
      tpu.enqueue_indirect_dma source(%dma_start3A_24 : memref<10000x128xf32, #tpu.memory_space<hbm>>) target(%arg9 : memref<128x128xf32, #tpu.memory_space<vmem>>) offsets(%arg7 : memref<128xi32, #tpu.memory_space<vmem>>) semaphore(%arg11 : memref<!tpu.dma_semaphore, #tpu.memory_space<semaphore_mem>>)
      %dma_wait3A = arith.constant 0 : i32
      %dma_wait3A_25 = arith.constant 0 : i32
      %dma_wait3A_26 = tpu.memref_slice %arg2[%dma_wait3A, %dma_wait3A_25] : memref<10000x128xf32, #tpu.memory_space<hbm>> -> memref<10000x128xf32, #tpu.memory_space<hbm>>
      tpu.wait_indirect_dma semaphore(%arg11 : memref<!tpu.dma_semaphore, #tpu.memory_space<semaphore_mem>>) src(%dma_wait3A_26 : memref<10000x128xf32, #tpu.memory_space<hbm>>) dst(%arg9 : memref<128x128xf32, #tpu.memory_space<vmem>>)
      "tpu.region"() ({
        %run_scoped3A = tpu.sem_alloc : memref<!tpu.dma_semaphore, #tpu.memory_space<semaphore_mem>>
        %dma_start3A_27 = arith.constant 0 : i32
        %dma_start3A_28 = arith.constant 0 : i32
        %dma_start3A_29 = tpu.memref_slice %arg10[%dma_start3A_27, %dma_start3A_28] : memref<128x128xf32, #tpu.memory_space<vmem_shared>> -> memref<128x128xf32, #tpu.memory_space<vmem_shared>>
        tpu.enqueue_indirect_dma source(%arg9 : memref<128x128xf32, #tpu.memory_space<vmem>>) target(%dma_start3A_29 : memref<128x128xf32, #tpu.memory_space<vmem_shared>>) offsets(%arg8 : memref<128xi32, #tpu.memory_space<vmem>>) semaphore(%run_scoped3A : memref<!tpu.dma_semaphore, #tpu.memory_space<semaphore_mem>>) {add = true}
        %dma_wait3A_30 = arith.constant 0 : i32
        %dma_wait3A_31 = arith.constant 0 : i32
        %dma_wait3A_32 = tpu.memref_slice %arg10[%dma_wait3A_30, %dma_wait3A_31] : memref<128x128xf32, #tpu.memory_space<vmem_shared>> -> memref<128x128xf32, #tpu.memory_space<vmem_shared>>
        tpu.wait_indirect_dma semaphore(%run_scoped3A : memref<!tpu.dma_semaphore, #tpu.memory_space<semaphore_mem>>) src(%arg9 : memref<128x128xf32, #tpu.memory_space<vmem>>) dst(%dma_wait3A_32 : memref<128x128xf32, #tpu.memory_space<vmem_shared>>)
        tpu.yield
      }) : () -> ()
    }
    %barrier3A_16 = arith.constant 0 : index
    tpu.barrier barrier_id(%barrier3A_16)
    "tpu.region"() ({
      %run_scoped3A = tpu.sem_alloc : memref<!tpu.dma_semaphore, #tpu.memory_space<semaphore_mem>>
      %dma_start3A = arith.constant 0 : i32
      %dma_start3A_17 = tpu.memref_slice %arg6[%arg0, %mul3A_2, %dma_start3A] : memref<2x128x128xf32, #tpu.memory_space<hbm>> -> memref<1x8x128xf32, #tpu.memory_space<hbm>>
      %dma_start3A_18 = tpu.memref_squeeze %dma_start3A_17 : memref<1x8x128xf32, #tpu.memory_space<hbm>> -> memref<8x128xf32, #tpu.memory_space<hbm>>
      %dma_start3A_19 = arith.constant 0 : i32
      %dma_start3A_20 = tpu.memref_slice %arg10[%mul3A_2, %dma_start3A_19] : memref<128x128xf32, #tpu.memory_space<vmem_shared>> -> memref<8x128xf32, #tpu.memory_space<vmem_shared>>
      tpu.enqueue_dma source(%dma_start3A_20 : memref<8x128xf32, #tpu.memory_space<vmem_shared>>) target(%dma_start3A_18 : memref<8x128xf32, #tpu.memory_space<hbm>>) target_semaphore(%run_scoped3A : memref<!tpu.dma_semaphore, #tpu.memory_space<semaphore_mem>>)
      %dma_wait3A = arith.constant 0 : i32
      %dma_wait3A_21 = tpu.memref_slice %arg6[%arg0, %mul3A_2, %dma_wait3A] : memref<2x128x128xf32, #tpu.memory_space<hbm>> -> memref<1x8x128xf32, #tpu.memory_space<hbm>>
      %dma_wait3A_22 = tpu.memref_squeeze %dma_wait3A_21 : memref<1x8x128xf32, #tpu.memory_space<hbm>> -> memref<8x128xf32, #tpu.memory_space<hbm>>
      %dma_wait3A_23 = arith.constant 0 : i32
      %dma_wait3A_24 = tpu.memref_slice %arg10[%mul3A_2, %dma_wait3A_23] : memref<128x128xf32, #tpu.memory_space<vmem_shared>> -> memref<8x128xf32, #tpu.memory_space<vmem_shared>>
      tpu.wait_dma2 semaphore(%run_scoped3A : memref<!tpu.dma_semaphore, #tpu.memory_space<semaphore_mem>>) src(%dma_wait3A_24 : memref<8x128xf32, #tpu.memory_space<vmem_shared>>) dst(%dma_wait3A_22 : memref<8x128xf32, #tpu.memory_space<hbm>>)
      tpu.yield
    }) : () -> ()
    return
  }
}

#map = affine_map<(d0, d1) -> (0, 0)>
#map1 = affine_map<(d0, d1) -> (0, 0, 0)>
module attributes {stable_mosaic.version = 14 : i64} {
  func.func @count(%arg0: i32, %arg1: i32, %arg2: memref<256x128xi32, #tpu.memory_space<hbm>>, %arg3: memref<128x128xf32, #tpu.memory_space<hbm>>, %arg4: memref<128x128xf32, #tpu.memory_space<hbm>>, %arg5: memref<2x128x128xf32, #tpu.memory_space<hbm>>, %arg6: memref<8x128xi32, #tpu.memory_space<vmem>>, %arg7: memref<128x128xf32, #tpu.memory_space<vmem>>, %arg8: memref<128x128xf32, #tpu.memory_space<vmem_shared>>) attributes {dimension_semantics = [#tpu.dimension_semantics<core_parallel>, #tpu.dimension_semantics<subcore_parallel>], iteration_bounds = array<i64: 2, 16>, scalar_prefetch = 0 : i64, scratch_operands = 3 : i64, tpu.core_type = #tpu.core_type<sc_vector_subcore>, window_params = [{transform_indices = #map}, {transform_indices = #map}, {transform_indices = #map}, {transform_indices = #map1}]} {
    %mul3A = arith.constant 2 : i32
    %mul3A_0 = arith.muli %arg1, %mul3A : i32
    %add3A = arith.addi %mul3A_0, %arg0 : i32
    %mul3A_1 = arith.constant 8 : i32
    %mul3A_2 = arith.muli %arg1, %mul3A_1 : i32
    "tpu.region"() ({
      %run_scoped3A = tpu.sem_alloc : memref<!tpu.dma_semaphore, #tpu.memory_space<semaphore_mem>>
      %dma_start3A = arith.constant 0 : i32
      %dma_start3A_11 = tpu.memref_slice %arg8[%mul3A_2, %dma_start3A] : memref<128x128xf32, #tpu.memory_space<vmem_shared>> -> memref<8x128xf32, #tpu.memory_space<vmem_shared>>
      %dma_start3A_12 = arith.constant 0 : i32
      %dma_start3A_13 = tpu.memref_slice %arg4[%mul3A_2, %dma_start3A_12] : memref<128x128xf32, #tpu.memory_space<hbm>> -> memref<8x128xf32, #tpu.memory_space<hbm>>
      tpu.enqueue_dma source(%dma_start3A_13 : memref<8x128xf32, #tpu.memory_space<hbm>>) target(%dma_start3A_11 : memref<8x128xf32, #tpu.memory_space<vmem_shared>>) target_semaphore(%run_scoped3A : memref<!tpu.dma_semaphore, #tpu.memory_space<semaphore_mem>>)
      %dma_wait3A = arith.constant 0 : i32
      %dma_wait3A_14 = tpu.memref_slice %arg8[%mul3A_2, %dma_wait3A] : memref<128x128xf32, #tpu.memory_space<vmem_shared>> -> memref<8x128xf32, #tpu.memory_space<vmem_shared>>
      %dma_wait3A_15 = arith.constant 0 : i32
      %dma_wait3A_16 = tpu.memref_slice %arg4[%mul3A_2, %dma_wait3A_15] : memref<128x128xf32, #tpu.memory_space<hbm>> -> memref<8x128xf32, #tpu.memory_space<hbm>>
      tpu.wait_dma2 semaphore(%run_scoped3A : memref<!tpu.dma_semaphore, #tpu.memory_space<semaphore_mem>>) src(%dma_wait3A_16 : memref<8x128xf32, #tpu.memory_space<hbm>>) dst(%dma_wait3A_14 : memref<8x128xf32, #tpu.memory_space<vmem_shared>>)
      tpu.yield
    }) : () -> ()
    %mul3A_3 = arith.constant 8 : i32
    %mul3A_4 = arith.muli %add3A, %mul3A_3 : i32
    "tpu.region"() ({
      %run_scoped3A = tpu.sem_alloc : memref<!tpu.dma_semaphore, #tpu.memory_space<semaphore_mem>>
      %dma_start3A = arith.constant 0 : i32
      %dma_start3A_11 = tpu.memref_slice %arg2[%mul3A_4, %dma_start3A] : memref<256x128xi32, #tpu.memory_space<hbm>> -> memref<8x128xi32, #tpu.memory_space<hbm>>
      %dma_start3A_12 = arith.constant 0 : i32
      %dma_start3A_13 = tpu.memref_slice %arg2[%mul3A_4, %dma_start3A_12] : memref<256x128xi32, #tpu.memory_space<hbm>> -> memref<8x128xi32, #tpu.memory_space<hbm>>
      tpu.enqueue_dma source(%dma_start3A_13 : memref<8x128xi32, #tpu.memory_space<hbm>>) target(%arg6 : memref<8x128xi32, #tpu.memory_space<vmem>>) target_semaphore(%run_scoped3A : memref<!tpu.dma_semaphore, #tpu.memory_space<semaphore_mem>>)
      %dma_wait3A = arith.constant 0 : i32
      %dma_wait3A_14 = tpu.memref_slice %arg2[%mul3A_4, %dma_wait3A] : memref<256x128xi32, #tpu.memory_space<hbm>> -> memref<8x128xi32, #tpu.memory_space<hbm>>
      %dma_wait3A_15 = arith.constant 0 : i32
      %dma_wait3A_16 = tpu.memref_slice %arg2[%mul3A_4, %dma_wait3A_15] : memref<256x128xi32, #tpu.memory_space<hbm>> -> memref<8x128xi32, #tpu.memory_space<hbm>>
      tpu.wait_dma2 semaphore(%run_scoped3A : memref<!tpu.dma_semaphore, #tpu.memory_space<semaphore_mem>>) src(%dma_wait3A_16 : memref<8x128xi32, #tpu.memory_space<hbm>>) dst(%arg6 : memref<8x128xi32, #tpu.memory_space<vmem>>)
      tpu.yield
    }) : () -> ()
    "tpu.region"() ({
      %run_scoped3A = tpu.sem_alloc : memref<!tpu.dma_semaphore, #tpu.memory_space<semaphore_mem>>
      tpu.enqueue_dma source(%arg3 : memref<128x128xf32, #tpu.memory_space<hbm>>) target(%arg7 : memref<128x128xf32, #tpu.memory_space<vmem>>) target_semaphore(%run_scoped3A : memref<!tpu.dma_semaphore, #tpu.memory_space<semaphore_mem>>)
      tpu.wait_dma2 semaphore(%run_scoped3A : memref<!tpu.dma_semaphore, #tpu.memory_space<semaphore_mem>>) src(%arg3 : memref<128x128xf32, #tpu.memory_space<hbm>>) dst(%arg7 : memref<128x128xf32, #tpu.memory_space<vmem>>)
      tpu.yield
    }) : () -> ()
    %barrier3A = arith.constant 0 : index
    tpu.barrier barrier_id(%barrier3A)
    %scan3A = arith.constant 0 : i32
    %scan3A_5 = arith.constant 0 : i32
    %scan3A_6 = arith.constant 8 : i32
    %scan3A_7 = arith.addi %scan3A_5, %scan3A_6 : i32
    %scan3A_8 = arith.constant 1 : i32
    scf.for %scan3A_11 = %scan3A_5 to %scan3A_7 step %scan3A_8  : i32 {
      "tpu.region"() ({
        %run_scoped3A = tpu.sem_alloc : memref<!tpu.dma_semaphore, #tpu.memory_space<semaphore_mem>>
        %dma_start3A = arith.constant 0 : i32
        %dma_start3A_12 = tpu.memref_slice %arg6[%scan3A_11, %dma_start3A] : memref<8x128xi32, #tpu.memory_space<vmem>> -> memref<1x128xi32, #tpu.memory_space<vmem>>
        %dma_start3A_13 = tpu.memref_squeeze %dma_start3A_12 : memref<1x128xi32, #tpu.memory_space<vmem>> -> memref<128xi32, #tpu.memory_space<vmem>>
        %dma_start3A_14 = arith.constant 0 : i32
        %dma_start3A_15 = arith.constant 0 : i32
        %dma_start3A_16 = tpu.memref_slice %arg8[%dma_start3A_14, %dma_start3A_15] : memref<128x128xf32, #tpu.memory_space<vmem_shared>> -> memref<128x128xf32, #tpu.memory_space<vmem_shared>>
        tpu.enqueue_indirect_dma source(%arg7 : memref<128x128xf32, #tpu.memory_space<vmem>>) target(%dma_start3A_16 : memref<128x128xf32, #tpu.memory_space<vmem_shared>>) offsets(%dma_start3A_13 : memref<128xi32, #tpu.memory_space<vmem>>) semaphore(%run_scoped3A : memref<!tpu.dma_semaphore, #tpu.memory_space<semaphore_mem>>) {add = true}
        %dma_wait3A = arith.constant 0 : i32
        %dma_wait3A_17 = tpu.memref_slice %arg6[%scan3A_11, %dma_wait3A] : memref<8x128xi32, #tpu.memory_space<vmem>> -> memref<1x128xi32, #tpu.memory_space<vmem>>
        %dma_wait3A_18 = tpu.memref_squeeze %dma_wait3A_17 : memref<1x128xi32, #tpu.memory_space<vmem>> -> memref<128xi32, #tpu.memory_space<vmem>>
        %dma_wait3A_19 = arith.constant 0 : i32
        %dma_wait3A_20 = arith.constant 0 : i32
        %dma_wait3A_21 = tpu.memref_slice %arg8[%dma_wait3A_19, %dma_wait3A_20] : memref<128x128xf32, #tpu.memory_space<vmem_shared>> -> memref<128x128xf32, #tpu.memory_space<vmem_shared>>
        tpu.wait_indirect_dma semaphore(%run_scoped3A : memref<!tpu.dma_semaphore, #tpu.memory_space<semaphore_mem>>) src(%arg7 : memref<128x128xf32, #tpu.memory_space<vmem>>) dst(%dma_wait3A_21 : memref<128x128xf32, #tpu.memory_space<vmem_shared>>)
        tpu.yield
      }) : () -> ()
    }
    %scan3A_9 = arith.constant 8 : i32
    %barrier3A_10 = arith.constant 0 : index
    tpu.barrier barrier_id(%barrier3A_10)
    "tpu.region"() ({
      %run_scoped3A = tpu.sem_alloc : memref<!tpu.dma_semaphore, #tpu.memory_space<semaphore_mem>>
      %dma_start3A = arith.constant 0 : i32
      %dma_start3A_11 = tpu.memref_slice %arg5[%arg0, %mul3A_2, %dma_start3A] : memref<2x128x128xf32, #tpu.memory_space<hbm>> -> memref<1x8x128xf32, #tpu.memory_space<hbm>>
      %dma_start3A_12 = tpu.memref_squeeze %dma_start3A_11 : memref<1x8x128xf32, #tpu.memory_space<hbm>> -> memref<8x128xf32, #tpu.memory_space<hbm>>
      %dma_start3A_13 = arith.constant 0 : i32
      %dma_start3A_14 = tpu.memref_slice %arg8[%mul3A_2, %dma_start3A_13] : memref<128x128xf32, #tpu.memory_space<vmem_shared>> -> memref<8x128xf32, #tpu.memory_space<vmem_shared>>
      tpu.enqueue_dma source(%dma_start3A_14 : memref<8x128xf32, #tpu.memory_space<vmem_shared>>) target(%dma_start3A_12 : memref<8x128xf32, #tpu.memory_space<hbm>>) target_semaphore(%run_scoped3A : memref<!tpu.dma_semaphore, #tpu.memory_space<semaphore_mem>>)
      %dma_wait3A = arith.constant 0 : i32
      %dma_wait3A_15 = tpu.memref_slice %arg5[%arg0, %mul3A_2, %dma_wait3A] : memref<2x128x128xf32, #tpu.memory_space<hbm>> -> memref<1x8x128xf32, #tpu.memory_space<hbm>>
      %dma_wait3A_16 = tpu.memref_squeeze %dma_wait3A_15 : memref<1x8x128xf32, #tpu.memory_space<hbm>> -> memref<8x128xf32, #tpu.memory_space<hbm>>
      %dma_wait3A_17 = arith.constant 0 : i32
      %dma_wait3A_18 = tpu.memref_slice %arg8[%mul3A_2, %dma_wait3A_17] : memref<128x128xf32, #tpu.memory_space<vmem_shared>> -> memref<8x128xf32, #tpu.memory_space<vmem_shared>>
      tpu.wait_dma2 semaphore(%run_scoped3A : memref<!tpu.dma_semaphore, #tpu.memory_space<semaphore_mem>>) src(%dma_wait3A_18 : memref<8x128xf32, #tpu.memory_space<vmem_shared>>) dst(%dma_wait3A_16 : memref<8x128xf32, #tpu.memory_space<hbm>>)
      tpu.yield
    }) : () -> ()
    return
  }
}

module attributes {stable_mosaic.version = 14 : i64} {
  func.func @_layer_body(%arg0: i32, %arg1: memref<2000x128xf32, #tpu.memory_space<vmem>>, %arg2: memref<2000x128xf32, #tpu.memory_space<vmem>>, %arg3: memref<2000x128xf32, #tpu.memory_space<vmem>>, %arg4: memref<2000x128xf32, #tpu.memory_space<vmem>>, %arg5: memref<128x128xf32, #tpu.memory_space<vmem>>, %arg6: memref<128x128xf32, #tpu.memory_space<vmem>>, %arg7: memref<1x128xf32, #tpu.memory_space<vmem>>, %arg8: memref<2000x128xf32, #tpu.memory_space<vmem>>) attributes {dimension_semantics = [#tpu.dimension_semantics<arbitrary>], iteration_bounds = array<i64: 5>, scalar_prefetch = 0 : i64, scratch_operands = 0 : i64, tpu.core_type = #tpu.core_type<tc>, window_params = [{transform_indices = @transform_0, window_bounds = array<i64: 2000, 128>}, {transform_indices = @transform_1, window_bounds = array<i64: 2000, 128>}, {transform_indices = @transform_2, window_bounds = array<i64: 2000, 128>}, {transform_indices = @transform_3, window_bounds = array<i64: 2000, 128>}, {pipeline_mode = #tpu.pipeline_mode<synchronous>, transform_indices = @transform_4, window_bounds = array<i64: 128, 128>}, {pipeline_mode = #tpu.pipeline_mode<synchronous>, transform_indices = @transform_5, window_bounds = array<i64: 128, 128>}, {pipeline_mode = #tpu.pipeline_mode<synchronous>, transform_indices = @transform_6, window_bounds = array<i64: 1, 128>}, {transform_indices = @transform_7, window_bounds = array<i64: 2000, 128>}]} {
    %get3A = arith.constant 0 : index
    %get3A_0 = arith.constant 0 : index
    %get3A_1 = vector.load %arg2[%get3A, %get3A_0] : memref<2000x128xf32, #tpu.memory_space<vmem>>, vector<2000x128xf32>
    %get3A_2 = arith.constant 0 : index
    %get3A_3 = arith.constant 0 : index
    %get3A_4 = vector.load %arg3[%get3A_2, %get3A_3] : memref<2000x128xf32, #tpu.memory_space<vmem>>, vector<2000x128xf32>
    %add3A = arith.addf %get3A_1, %get3A_4 : vector<2000x128xf32>
    %get3A_5 = arith.constant 0 : index
    %get3A_6 = arith.constant 0 : index
    %get3A_7 = vector.load %arg4[%get3A_5, %get3A_6] : memref<2000x128xf32, #tpu.memory_space<vmem>>, vector<2000x128xf32>
    %mul3A = arith.mulf %add3A, %get3A_7 : vector<2000x128xf32>
    %get3A_8 = arith.constant 0 : index
    %get3A_9 = arith.constant 0 : index
    %get3A_10 = vector.load %arg1[%get3A_8, %get3A_9] : memref<2000x128xf32, #tpu.memory_space<vmem>>, vector<2000x128xf32>
    %get3A_11 = arith.constant 0 : index
    %get3A_12 = arith.constant 0 : index
    %get3A_13 = vector.load %arg5[%get3A_11, %get3A_12] : memref<128x128xf32, #tpu.memory_space<vmem>>, vector<128x128xf32>
    %dot_general3A = arith.constant dense<0.000000e+00> : vector<2000x128xf32>
    %dot_general3A_14 = tpu.matmul %get3A_10, %get3A_13, %dot_general3A {dimension_numbers = #tpu.dot_dimension_numbers<[1], [0], [0], [1], [0, 0, 1, 1], [], []>, precision = #tpu.contract_precision<fp32>, transpose_lhs_hint = false} : vector<2000x128xf32>, vector<128x128xf32>, vector<2000x128xf32> -> vector<2000x128xf32>
    %get3A_15 = arith.constant 0 : index
    %get3A_16 = arith.constant 0 : index
    %get3A_17 = vector.load %arg6[%get3A_15, %get3A_16] : memref<128x128xf32, #tpu.memory_space<vmem>>, vector<128x128xf32>
    %dot_general3A_18 = arith.constant dense<0.000000e+00> : vector<2000x128xf32>
    %dot_general3A_19 = tpu.matmul %mul3A, %get3A_17, %dot_general3A_18 {dimension_numbers = #tpu.dot_dimension_numbers<[1], [0], [0], [1], [0, 0, 1, 1], [], []>, precision = #tpu.contract_precision<fp32>, transpose_lhs_hint = false} : vector<2000x128xf32>, vector<128x128xf32>, vector<2000x128xf32> -> vector<2000x128xf32>
    %add3A_20 = arith.addf %dot_general3A_14, %dot_general3A_19 : vector<2000x128xf32>
    %get3A_21 = arith.constant 0 : index
    %get3A_22 = arith.constant 0 : index
    %get3A_23 = vector.load %arg7[%get3A_21, %get3A_22] : memref<1x128xf32, #tpu.memory_space<vmem>>, vector<1x128xf32>
    %add3A_24 = vector.broadcast %get3A_23 : vector<1x128xf32> to vector<2000x128xf32>
    %add3A_25 = arith.addf %add3A_20, %add3A_24 : vector<2000x128xf32>
    %max3A = arith.constant 0.000000e+00 : f32
    %max3A_26 = vector.broadcast %max3A : f32 to vector<2000x128xf32>
    %max3A_27 = arith.maximumf %add3A_25, %max3A_26 : vector<2000x128xf32>
    %swap3A = arith.constant 0 : index
    %swap3A_28 = arith.constant 0 : index
    %swap3A_29 = vector.load %arg8[%swap3A, %swap3A_28] : memref<2000x128xf32, #tpu.memory_space<vmem>>, vector<2000x128xf32>
    tpu.vector_store %arg8[%swap3A, %swap3A_28], %max3A_27 {strides = array<i32>} : memref<2000x128xf32, #tpu.memory_space<vmem>>, vector<2000x128xf32>,
    return
  }
  func.func @transform_0(%arg0: i32) -> (i32, i32) {
    %c0_i32 = arith.constant 0 : i32
    %c0_i32_0 = arith.constant 0 : i32
    return %arg0, %c0_i32 : i32, i32
  }
  func.func @transform_1(%arg0: i32) -> (i32, i32) {
    %c0_i32 = arith.constant 0 : i32
    %c0_i32_0 = arith.constant 0 : i32
    return %arg0, %c0_i32 : i32, i32
  }
  func.func @transform_2(%arg0: i32) -> (i32, i32) {
    %c0_i32 = arith.constant 0 : i32
    %c0_i32_0 = arith.constant 0 : i32
    return %arg0, %c0_i32 : i32, i32
  }
  func.func @transform_3(%arg0: i32) -> (i32, i32) {
    %c0_i32 = arith.constant 0 : i32
    %c0_i32_0 = arith.constant 0 : i32
    return %arg0, %c0_i32 : i32, i32
  }
  func.func @transform_4(%arg0: i32) -> (i32, i32) {
    %c0_i32 = arith.constant 0 : i32
    %c0_i32_0 = arith.constant 0 : i32
    %c0_i32_1 = arith.constant 0 : i32
    return %c0_i32, %c0_i32_0 : i32, i32
  }
  func.func @transform_5(%arg0: i32) -> (i32, i32) {
    %c0_i32 = arith.constant 0 : i32
    %c0_i32_0 = arith.constant 0 : i32
    %c0_i32_1 = arith.constant 0 : i32
    return %c0_i32, %c0_i32_0 : i32, i32
  }
  func.func @transform_6(%arg0: i32) -> (i32, i32) {
    %c0_i32 = arith.constant 0 : i32
    %c0_i32_0 = arith.constant 0 : i32
    %c0_i32_1 = arith.constant 0 : i32
    return %c0_i32, %c0_i32_0 : i32, i32
  }
  func.func @transform_7(%arg0: i32) -> (i32, i32) {
    %c0_i32 = arith.constant 0 : i32
    %c0_i32_0 = arith.constant 0 : i32
    return %arg0, %c0_i32 : i32, i32
  }
}

module attributes {stable_mosaic.version = 14 : i64} {
  func.func @_final_body(%arg0: memref<64x128xf32, #tpu.memory_space<vmem>>, %arg1: memref<64x128xf32, #tpu.memory_space<vmem>>, %arg2: memref<64x128xf32, #tpu.memory_space<vmem>>, %arg3: memref<128x40xf32, #tpu.memory_space<vmem>>, %arg4: memref<1x40xf32, #tpu.memory_space<vmem>>, %arg5: memref<64x40xf32, #tpu.memory_space<vmem>>) attributes {dimension_semantics = [], scalar_prefetch = 0 : i64, scratch_operands = 0 : i64, tpu.core_type = #tpu.core_type<tc>} {
    %get3A = arith.constant 0 : index
    %get3A_0 = arith.constant 0 : index
    %get3A_1 = vector.load %arg0[%get3A, %get3A_0] : memref<64x128xf32, #tpu.memory_space<vmem>>, vector<64x128xf32>
    %get3A_2 = arith.constant 0 : index
    %get3A_3 = arith.constant 0 : index
    %get3A_4 = vector.load %arg1[%get3A_2, %get3A_3] : memref<64x128xf32, #tpu.memory_space<vmem>>, vector<64x128xf32>
    %add3A = arith.addf %get3A_1, %get3A_4 : vector<64x128xf32>
    %get3A_5 = arith.constant 0 : index
    %get3A_6 = arith.constant 0 : index
    %get3A_7 = vector.load %arg2[%get3A_5, %get3A_6] : memref<64x128xf32, #tpu.memory_space<vmem>>, vector<64x128xf32>
    %mul3A = arith.mulf %add3A, %get3A_7 : vector<64x128xf32>
    %get3A_8 = arith.constant 0 : index
    %get3A_9 = arith.constant 0 : index
    %get3A_10 = vector.load %arg3[%get3A_8, %get3A_9] : memref<128x40xf32, #tpu.memory_space<vmem>>, vector<128x40xf32>
    %dot_general3A = arith.constant dense<0.000000e+00> : vector<64x40xf32>
    %dot_general3A_11 = tpu.matmul %mul3A, %get3A_10, %dot_general3A {dimension_numbers = #tpu.dot_dimension_numbers<[1], [0], [0], [1], [0, 0, 1, 1], [], []>, precision = #tpu.contract_precision<fp32>, transpose_lhs_hint = false} : vector<64x128xf32>, vector<128x40xf32>, vector<64x40xf32> -> vector<64x40xf32>
    %get3A_12 = arith.constant 0 : index
    %get3A_13 = arith.constant 0 : index
    %get3A_14 = vector.load %arg4[%get3A_12, %get3A_13] : memref<1x40xf32, #tpu.memory_space<vmem>>, vector<1x40xf32>
    %add3A_15 = vector.broadcast %get3A_14 : vector<1x40xf32> to vector<64x40xf32>
    %add3A_16 = arith.addf %dot_general3A_11, %add3A_15 : vector<64x40xf32>
    %swap3A = arith.constant 0 : index
    %swap3A_17 = arith.constant 0 : index
    %swap3A_18 = vector.load %arg5[%swap3A, %swap3A_17] : memref<64x40xf32, #tpu.memory_space<vmem>>, vector<64x40xf32>
    tpu.vector_store %arg5[%swap3A, %swap3A_17], %add3A_16 {strides = array<i32>} : memref<64x40xf32, #tpu.memory_space<vmem>>, vector<64x40xf32>,
    return
  }
}

</mosaic_0001>

<sc_bundles>
// kernel: kernel.12.cloned.1.call-start
scs
__scs_entry_jumppad:
0x0: {  	(pc) =	sbr.rel $0x88, $3  }
0x1: {  	(tag) =	ssettag $0x0;
	lr =	simm.s32 $0x1  }
0x2: {  	[smem:$0x3F93] =	sst lr;
	_ =	strace $0xD0000000  }
0x3: {  	_ = 	snop  }
0x4: {  	_ = 	snop  }
0x5: {  	_ = 	snop  }
0x6: {  	_ = 	snop  }
0x7: {  	_ = 	snop  }
__scs_overlays_trampoline_lowered:
0x8: {  	[smem:$0x3FA2] =	sst s0  }
0x9: {  	[smem:$0x3FA3] =	sst s1  }
0xa: {  	[smem:$0x3FA4] =	sst s2  }
0xb: {  	[smem:$0x3FA5] =	sst s3  }
0xc: {  	[smem:$0x3FA6] =	sst s4  }
0xd: {  	[smem:$0x3FA7] =	sst s5  }
0xe: {  	[smem:$0x3FA8] =	sst s6  }
0xf: {  	[smem:$0x3FA9] =	sst s7  }
0x10: {  	[smem:$0x3FAA] =	sst s8  }
0x11: {  	[smem:$0x3FAB] =	sst s9;
	s0 =	simm.s32 @!p0 $0x0  }
0x12: {  	s1 =	sld [smem:$0x3F91];
	s0 =	simm.s32 @p0 $0x1  }
0x13: {  	[smem:$0x3FAC] =	sst s0;
	s0 =	simm.s32 @!p1 $0x0  }
0x14: {  	s2 =	sld [smem:$0x3F90];
	s0 =	simm.s32 @p1 $0x1  }
0x15: {  	[smem:$0x3FAD] =	sst s0;
	s0 =	simm.s32 @!p2 $0x0  }
0x16: {  	s3 =	sld [smem:$0x3FDB];
	s0 =	simm.s32 @p2 $0x1  }
0x17: {  	s4 =	simm.s32 $0x1BF5;
	[smem:$0x3FAF] =	sst s0  }
0x18: {  	s0 =	sld [smem:$0x3F92];
	_ =	swait.ge [sflag:s4], $0x0  }
0x19: {  	s7 =	sld [smem:$0x3F93]  }
0x1a: {  	s8 =	sadd.s32 $0xFFFFE003, lr  }
0x1b: {  	s9 =	sadd.s32 $0xFFFFFEF7, lr;
	s5 =	simm.s32 $0xFFFFFFFF;
	p2 =	slt.u32 s8, $0xFFFFF086  }
0x1c: {  	p1 =	slt.u32 s9, $0xF7A;
	s5 =	simm.s32 @!p2 $0x0  }
0x1d: {  	s5 =	simm.s32 @p1 $0x1;
	p0 =	seq.s32 s7, s2  }
0x1e: {  	s7 =	smul.u32 @!p0 $0xF7A, s2;
	p2 =	seq.s32 @!p0 s5, $0x0  }
0x1f: {  	s9 =	smul.u32 $0xF7A, s1;
	s8 =	simm.s32 @!p0 $0x1BF5;
	p2 =	por !p2, p0  }
0x20: {  	[sflag:s8] =	ssyncset.s32 @!p0 $0xFFFFF086;
	s6 =	sadd.s32 @!p0 s3, s7;
	s7 =	simm.s32 @!p0 $0x108  }
0x21: {  	s3 =	sadd.s32 s3, s9;
	s6 =	sadd.s32 @!p0 $0x88, s6;
	s7 =	simm.s32 @p2 $0x1082  }
0x22: {  	[simem:s7], [sflag:s8] =	dma.local @!p0 [hbm:s6], $0xF7A  }
0x23: {  	s9 =	sor.u32 $0xD0000000, s2;
	s6 =	simm.s32 $0x108;
	_ =	swait.ge @!p0 [sflag:s8], $0x0  }
0x24: {  	s3 =	sadd.s32 $0x88, s3;
	s6 =	simm.s32 @!p1 $0x1082;
	[sflag:s4] =	ssyncset.s32 $0xFFFFF086  }
0x25: {  	[simem:s6], [sflag:s4] =	dma.local [hbm:s3], $0xF7A  }
0x26: {  	[smem:$0x3F93] =	sst s1;
	(tag) =	ssettag s2;
	_ =	strace s9  }
0x27: {  	s1 =	sld [smem:$0x3FA3]  }
0x28: {  	s2 =	sld [smem:$0x3FA4]  }
0x29: {  	s4 =	sld [smem:$0x3FA6]  }
0x2a: {  	p0 =	seq.s32 s5, $0x0;
	s5 =	sld [smem:$0x3FA7]  }
0x2b: {  	s6 =	sld [smem:$0x3FA8]  }
0x2c: {  	s7 =	sld [smem:$0x3FA9]  }
0x2d: {  	s3 =	simm.s32 $0x108;
	s8 =	sld [smem:$0x3FAA]  }
0x2e: {  	s3 =	simm.s32 @!p0 $0x1082;
	s9 =	sld [smem:$0x3FAB]  }
0x2f: {  	lr =	sadd.s32 s0, s3;
	s0 =	sld [smem:$0x3FA2]  }
0x30: {  	s3 =	sld [smem:$0x3FA5]  }
0x31: {  	[smem:$0x3FAE] =	sst s10  }
0x32: {  	s10 =	sld [smem:$0x3FAC];
	_ =	sdelay $0x3  }
0x33: {  	p0 =	seq.s32 s10, $0x1;
	s10 =	sld [smem:$0x3FAE];
	_ =	sdelay $0x3  }
0x34: {  	[smem:$0x3FAE] =	sst s10  }
0x35: {  	s10 =	sld [smem:$0x3FAD];
	_ =	sdelay $0x3  }
0x36: {  	p1 =	seq.s32 s10, $0x1;
	s10 =	sld [smem:$0x3FAE];
	_ =	sdelay $0x3  }
0x37: {  	[smem:$0x3FAE] =	sst s10  }
0x38: {  	s10 =	sld [smem:$0x3FAF]  }
0x39: {  	_ = 	snop;
	(pc) =	sbr.ind lr, $3  }
0x3a: {  	_ = 	snop  }
0x3b: {  	_ = 	snop  }
0x3c: {  	p2 =	seq.s32 s10, $0x1;
	s10 =	sld [smem:$0x3FAE]  }
0x3d: {  	_ =	shalt  }
0x3e: {  	_ =	shalt  }
0x3f: {  	_ =	shalt  }
0x40: {  	_ =	shalt  }
0x41: {  	_ =	shalt  }
0x42: {  	_ =	shalt  }
0x43: {  	_ =	shalt  }
0x44: {  	_ =	shalt  }
0x45: {  	_ =	shalt  }
0x46: {  	_ =	shalt  }
0x47: {  	_ =	shalt  }
0x48: {  	_ =	shalt  }
0x49: {  	_ =	shalt  }
0x4a: {  	_ =	shalt  }
0x4b: {  	_ =	shalt  }
0x4c: {  	_ =	shalt  }
0x4d: {  	_ =	shalt  }
0x4e: {  	_ =	shalt  }
0x4f: {  	_ =	shalt  }
0x50: {  	_ =	shalt  }
0x51: {  	_ =	shalt  }
0x52: {  	_ =	shalt  }
0x53: {  	_ =	shalt  }
0x54: {  	_ =	shalt  }
0x55: {  	_ =	shalt  }
0x56: {  	_ =	shalt  }
0x57: {  	_ =	shalt  }
0x58: {  	_ =	shalt  }
0x59: {  	_ =	shalt  }
0x5a: {  	_ =	shalt  }
0x5b: {  	_ =	shalt  }
0x5c: {  	_ =	shalt  }
0x5d: {  	_ =	shalt  }
0x5e: {  	_ =	shalt  }
0x5f: {  	_ =	shalt  }
0x60: {  	_ =	shalt  }
0x61: {  	_ =	shalt  }
0x62: {  	_ =	shalt  }
0x63: {  	_ =	shalt  }
0x64: {  	_ =	shalt  }
0x65: {  	_ =	shalt  }
0x66: {  	_ =	shalt  }
0x67: {  	_ =	shalt  }
0x68: {  	_ =	shalt  }
0x69: {  	_ =	shalt  }
0x6a: {  	_ =	shalt  }
0x6b: {  	_ =	shalt  }
0x6c: {  	_ =	shalt  }
0x6d: {  	_ =	shalt  }
0x6e: {  	_ =	shalt  }
0x6f: {  	_ =	shalt  }
0x70: {  	_ =	shalt  }
0x71: {  	_ =	shalt  }
0x72: {  	_ =	shalt  }
0x73: {  	_ =	shalt  }
0x74: {  	_ =	shalt  }
0x75: {  	_ =	shalt  }
0x76: {  	_ =	shalt  }
0x77: {  	_ =	shalt  }
0x78: {  	_ =	shalt  }
0x79: {  	_ =	shalt  }
0x7a: {  	_ =	shalt  }
0x7b: {  	_ =	shalt  }
0x7c: {  	_ =	shalt  }
0x7d: {  	_ =	shalt  }
0x7e: {  	_ =	shalt  }
0x7f: {  	_ =	shalt  }
0x80: {  	_ =	shalt  }
0x81: {  	_ =	shalt  }
0x82: {  	_ =	shalt  }
0x83: {  	_ =	shalt  }
0x84: {  	_ =	shalt  }
0x85: {  	_ =	shalt  }
0x86: {  	_ =	shalt  }
0x87: {  	_ =	shalt  }
.Lfunc_end0:
.L_simem_size_0:
called_computation_lowered:
.L_overlay_start_0:
0x88: {  	s2 =	sld [smem:$0x3FD9]  }
0x89: {  	s3 =	sld [smem:$0x3FFE];
	_ =	sdelay $0x1  }
0x8a: {  	s1 =	srdreg.scid  }
0x8b: {  	s0 =	sand.u32 $0x1, s1  }
0x8c: {  	s16 =	sshll.u32 s0, $0xA;
	s2 =	sadd.s32 s3, s2  }
0x8d: {  	s2 =	sadd.s32 s2, s16  }
0x8e: {  	[smem:$0x3FBA] =	sst s2  }
0x8f: {  	_ = 	snop  }
0x90: {  	(tm) =	ssettm $0x1  }
0x91: {  	s17 =	sld [smem:$0x3FFB];
	_ =	sdelay $0x3  }
0x92: {  	_ =	strace s17  }
0x93: {  	s2 =	sld [smem:$0x3FFC];
	_ =	sdelay $0x3  }
0x94: {  	_ =	strace s2  }
0x95: {  	s2 =	sld [smem:$0x3FFD];
	_ =	sdelay $0x3  }
0x96: {  	_ =	strace s2  }
0x97: {  	_ =	strace $0x8FFFFFFF  }
0x98: {  	s18 =	sld [smem:$0x3FDB];
	_ =	sdelay $0x1  }
0x99: {  	s19 =	simm.s32 $_scs_section_size  }
0x9a: {  	s4 =	simm.s32 $_size__tile_overlayer_lowered;
	s5 =	simm.s32 $_tile_overlayer_lowered  }
0x9b: {  	s22 =	simm.s32 $0x1BFF;
	s21 =	sshll.u32 s5, $0x1;
	s2 =	sadd.s32 s19, s18  }
0x9c: {  	s6 =	simm.s32 $0x0;
	s20 =	sshll.u32 s4, $0x1;
	s4 =	sadd.s32 s21, s2  }
0x9d: {  	[timem:s6], [sflag:s22] =	dma.local [hbm:s4], s20  }
0x9e: {  	_ =	swait.ge [sflag:s22], s20  }
0x9f: {  	s3 =	ssub.s32 $0x0, s20;
	[sflag:s22] =	ssyncset.done $0x0  }
0xa0: {  	[sflag:s22] =	ssyncadd.s32 s3;
	_ =	sdelay $0x1  }
0xa1: {  	s23 =	simm.s32 $0x1B8B  }
0xa2: {  	_ =	swait.ge [sflag:s23], $0x1  }
0xa3: {  	[sflag:s23] =	ssyncset.done $0x0  }
0xa4: {  	s25 =	simm.s32 $0x1B8E;
	s24 =	sld [smem:$0x3FFE];
	[sflag:s23] =	ssyncadd.s32 $0xFFFFFFFF  }
0xa5: {  	s26 =	simm.s32 $execute0_lowered;
	[smem:$0x3FD2] =	sst s25  }
0xa6: {  	s4 =	sshll.u32 s26, $0x1;
	_ =	strace $0x80000046;
	[dreg:$0x1] =	wrdreg $0xFFFFFFFF  }
0xa7: {  	s28 =	simm.s32 $_size_execute0_lowered;
	s2 =	sadd.s32 s2, s4;
	[dreg:$0x0] =	wrdreg $0x0  }
0xa8: {  	s4 =	sshll.u32 s28, $0x1;
	[dreg:$0x2] =	wrdreg s2  }
0xa9: {  	[dreg:$0x3] =	wrdreg s4  }
0xaa: {  	[dreg:$0x4] =	wrdreg $0xC0  }
0xab: {  	_ =	task [dreg:s6], $0x5FFFF  }
0xac: {  	[dreg:$0x1] =	wrdreg $0xFFFFFFFF  }
0xad: {  	[dreg:$0x0] =	wrdreg $0x60  }
0xae: {  	[dreg:$0x2] =	wrdreg s24  }
0xaf: {  	[dreg:$0x3] =	wrdreg $0x68000  }
0xb0: {  	[dreg:$0x4] =	wrdreg $0x9  }
0xb1: {  	_ =	task.clear_ibuf [dreg:s6], $0x5FFFF;
	_ =	strace $0x90000046  }
0xb2: {  	s29 =	simm.s32 $0x9;
	_ =	strace $0x80000048  }
0xb3: {  	_ =	swait.ge [sflag:s29], $0x1  }
0xb4: {  	[sflag:s29] =	ssyncadd.s32 $0xFFFFFFFF  }
0xb5: {  	_ =	strace $0x90000048  }
0xb6: {  	_ =	sfence  }
0xb7: {  	s30 =	sld [smem:$0x0];
	_ =	sdelay $0x2  }
0xb8: {  	s31 =	sshll.u32 s1, $0xD;
	s1 =	sshrl.u32 s1, $0x2  }
0xb9: {  	s3 =	sand.u32 $0x4000, s31;
	s1 =	sadd.s32 s1, s30  }
0xba: {  	s0 =	sor.u32 s3, s0;
	s1 =	sshll.u32 s1, $0x11  }
0xbb: {  	s0 =	sor.u32 s1, s0  }
0xbc: {  	s0 =	sadd.s32 $0x8F2B, s0  }
0xbd: {  	[sflag:s0] =	ssyncadd.remote.s32 $0x1  }
0xbe: {  	_ =	sfence.sel $0xFFFF  }
0xbf: {  	[dreg:$0x0] =	wrdreg $0xFFFFFFFF;
	(pc) =	sbr.abs _section_cstart, $3  }
0xc0: {  	[dreg:$0x1] =	wrdreg $0xFFFFFFFF  }
0xc1: {  	_ =	task.clear_ibuf [dreg:s6], $0x2FFFF;
	_ =	strace $0x9FFFFFFF  }
0xc2: {  	(tm) =	ssettm $0x7FFFFFFF  }
0xc3: {  	_ =	shalt  }
tec
execute0_lowered:
.L_overlay_start_1:
0x0: {  	(tag) =	ssettag $0x1  }
0x1: {  	s1 =	srdreg.scid;
	s5 =	rddreg [dreg:$0x0]  }
0x2: {  	s0 =	stileid.u32;
	s2 =	rddreg [dreg:$0x1];
	s3 =	simm.s32 $0x0  }
0x3: {  	s14 =	simm.s32 $0x0;
	s6 =	sand.u32 $0x1, s1;
	s1 =	rddreg [dreg:$0x2]  }
0x4: {  	s28 =	sshll.u32 s0, $0x1;
	[smem:$0x7FF] =	sst s3;
	s7 =	smul.u32 $0x13C00, s0  }
0x5: {  	s29 =	smul.u32 $0x4F000, s0;
	s31 =	sshll.u32 s0, $0x6;
	s4 =	sor.u32 s6, s28  }
0x6: {  	_ =	strace $0x80000047;
	s8 =	smul.u32 $0x13C000, s6;
	s6 =	ssub.s32 $0x2, s6  }
0x7: {  	s4 =	smul.u32 $0x500, s4;
	s10 =	sshrl.u32 s7, $0x3;
	s11 =	sshrl.u32 s6, $0x1  }
0x8: {  	s30 =	sshrl.u32 s29, $0x2;
	s7 =	sadd.s32 s7, s8;
	s10 =	sadd.s32 s10, s5  }
0x9: {  	s11 =	ssub.s32 s6, s11;
	s13 =	sadd.s32 s30, s2;
	s6 =	sor.u32 $0x1C01, s31  }
0xa: {  	s9 =	sadd.s32 s4, s5;
	s4 =	sadd.s32 $0x21800, s5;
	s7 =	sshrl.u32 s7, $0x3  }
0xb: {  	s12 =	sadd.s32 s7, s5;
	s5 =	sadd.s32 $0x22000, s10;
	s7 =	sadd.s32 $0x17800, s9  }
0xc: {  	s9 =	smax.u32 s11, $0x1;
	s10 =	sshrl.u32 s13, $0x3;
	s11 =	simm.s32 $0x1  }
0xd: {  	s13 =	simm.s32 $0x80;
	s8 =	sadd.s32 $0x49800, s12;
	s12 =	simm.s32 $0x2800  }
.LBB2_1:
0xe: {  	[spmem:s10], [sflag:s6] =	dma.local [hbm:s5], $0x2780  }
0xf: {  	_ =	swait.ge [sflag:s11], $0x2780  }
0x10: {  	[sflag:s11] =	ssyncset.done $0x0  }
0x11: {  	[sflag:s11] =	ssyncadd.s32 $0xFFFFD880  }
0x12: {  	[tilespmem:s3], [sflag:$0x1] =	stream.linear.gather [hbm4b:s7+s3], $0x2800, $0x38;
	[tilespmem:$0x1A400] =	vst v63  }
0x13: {  	_ =	swait.ge [sflag:s11], $0x2800  }
0x14: {  	[sflag:s11] =	ssyncset.done $0x0  }
0x15: {  	[sflag:s11] =	ssyncadd.s32 $0xFFFFD800  }
0x16: {  	[tilespmem:s12], [sflag:$0x1] =	stream.linear.gather [hbm4b:s4+s3], $0x4000, $0x38;
	[tilespmem:$0x1A400] =	vst v63  }
0x17: {  	_ =	swait.ge [sflag:s11], $0x4000  }
0x18: {  	[sflag:s11] =	ssyncset.done $0x0  }
0x19: {  	[sflag:s11] =	ssyncadd.s32 $0xFFFFC000  }
0x1a: {  	s15 =	simm.s32 $0x0;
	[bflag:$0x0] =	sbarrier.arrive $0xFFFF  }
0x1b: {  	[spmem:s2] =	stream.indirect.scatter.add.f32 [tilespmem:s12], [sflag:$0x1], $0x80, s15, s13, $0xb8;
	[tilespmem:$0x1A400] =	vst v63  }
0x1c: {  	_ =	swait.ge [sflag:s11], $0x4000  }
0x1d: {  	s15 =	simm.s32 $0x200;
	[sflag:s11] =	ssyncset.done $0x0  }
.LBB2_2:
0x1e: {  	s16 =	sshra.s32 s15, $0x2;
	[sflag:s11] =	ssyncadd.s32 $0xFFFFC000;
	p0 =	sne.s32 s15, $0x9E00  }
0x1f: {  	[spmem:s2] =	stream.indirect.scatter.add.f32 [tilespmem:s12], [sflag:$0x1], $0x80, s16, s13, $0xb8;
	[tilespmem:$0x1A400] =	vst v63  }
.Ltmp0:
0x20: {  	_ = 	snop;
	(pc) =	sbr.rel @p0 .LBB2_2-.Ltmp0, $4  }
0x21: {  	_ = 	snop  }
0x22: {  	s15 =	sadd.s32 $0x200, s15  }
0x23: {  	_ =	swait.ge [sflag:s11], $0x4000  }
0x24: {  	[sflag:s11] =	ssyncset.done $0x0  }
0x25: {  	s14 =	sadd.s32 $0x1, s14  }
0x26: {  	[sflag:s11] =	ssyncadd.s32 $0xFFFFC000;
	p0 =	sne.s32 s14, s9  }
.Ltmp1:
0x27: {  	[bflag:$0x0] =	sbarrier.arrive $0xFFFF;
	(pc) =	sbr.rel @p0 .LBB2_1-.Ltmp1, $4  }
0x28: {  	[hbm:s8], [sflag:s6] =	dma.local [spmem:s10], $0x2780  }
0x29: {  	_ =	swait.ge [sflag:s11], $0x2780  }
0x2a: {  	[sflag:s11] =	ssyncset.done $0x0  }
0x2b: {  	[sflag:s11] =	ssyncadd.s32 $0xFFFFD880  }
0x2c: {  	_ =	sfence.sel $0x180000  }
0x2d: {  	[bflag:$0x0] =	sbarrier.arrive $0xFFFF  }
0x2e: {  	p0 =	sne.s32 s0, $0x0;
	_ =	strace $0x90000047  }
0x2f: {  	s0 =	sadd.s32 @!p0 $0x100000, s1;
	[bflag:$0x2] =	sbarrier.arrive $0xFFFF  }
0x30: {  	[sflag:s0] =	ssyncadd.tile.s32 @!p0 $0x1;
	_ =	shalt  }
.Lfunc_end2:
_tile_overlayer_lowered:
.L_overlay_start_2:
0x31: {  	(tag) =	ssettag $0x2  }
0x32: {  	s0 =	rddreg [dreg:$0x0];
	s2 =	stileid.u32  }
0x33: {  	s1 =	rddreg [dreg:$0x1];
	p0 =	sne.s32 s2, $0x0  }
0x34: {  	s3 =	rddreg [dreg:$0x2];
	[bflag:$0x3] =	sbarrier.arrive $0xFFFF;
	s2 =	simm.s32 @!p0 $0x1C01  }
0x35: {  	[timem:s3], [sflag:s2] =	dma.local @!p0 [hbm:s0], s1  }
0x36: {  	s0 =	simm.s32 @!p0 $0x1  }
0x37: {  	_ =	swait.ge @!p0 [sflag:s0], s1  }
0x38: {  	s1 =	ssub.s32 @!p0 $0x0, s1;
	[sflag:s0] =	ssyncset.done @!p0 $0x0  }
0x39: {  	[sflag:s0] =	ssyncadd.s32 @!p0 s1  }
0x3a: {  	[bflag:$0x3] =	sbarrier.arrive $0xFFFF  }
0x3b: {  	_ =	shalt  }

// kernel: kernel.15.cloned.1.call-start
scs
__scs_entry_jumppad:
0x0: {  	(pc) =	sbr.rel $0x88, $3  }
0x1: {  	(tag) =	ssettag $0x0;
	lr =	simm.s32 $0x1  }
0x2: {  	[smem:$0x3F93] =	sst lr;
	_ =	strace $0xD0000000  }
0x3: {  	_ = 	snop  }
0x4: {  	_ = 	snop  }
0x5: {  	_ = 	snop  }
0x6: {  	_ = 	snop  }
0x7: {  	_ = 	snop  }
__scs_overlays_trampoline_lowered:
0x8: {  	[smem:$0x3FA2] =	sst s0  }
0x9: {  	[smem:$0x3FA3] =	sst s1  }
0xa: {  	[smem:$0x3FA4] =	sst s2  }
0xb: {  	[smem:$0x3FA5] =	sst s3  }
0xc: {  	[smem:$0x3FA6] =	sst s4  }
0xd: {  	[smem:$0x3FA7] =	sst s5  }
0xe: {  	[smem:$0x3FA8] =	sst s6  }
0xf: {  	[smem:$0x3FA9] =	sst s7  }
0x10: {  	[smem:$0x3FAA] =	sst s8  }
0x11: {  	[smem:$0x3FAB] =	sst s9;
	s0 =	simm.s32 @!p0 $0x0  }
0x12: {  	s1 =	sld [smem:$0x3F91];
	s0 =	simm.s32 @p0 $0x1  }
0x13: {  	[smem:$0x3FAC] =	sst s0;
	s0 =	simm.s32 @!p1 $0x0  }
0x14: {  	s2 =	sld [smem:$0x3F90];
	s0 =	simm.s32 @p1 $0x1  }
0x15: {  	[smem:$0x3FAD] =	sst s0;
	s0 =	simm.s32 @!p2 $0x0  }
0x16: {  	s3 =	sld [smem:$0x3FDB];
	s0 =	simm.s32 @p2 $0x1  }
0x17: {  	s4 =	simm.s32 $0x1BF5;
	[smem:$0x3FAF] =	sst s0  }
0x18: {  	s0 =	sld [smem:$0x3F92];
	_ =	swait.ge [sflag:s4], $0x0  }
0x19: {  	s7 =	sld [smem:$0x3F93]  }
0x1a: {  	s8 =	sadd.s32 $0xFFFFE003, lr  }
0x1b: {  	s9 =	sadd.s32 $0xFFFFFEF7, lr;
	s5 =	simm.s32 $0xFFFFFFFF;
	p2 =	slt.u32 s8, $0xFFFFF086  }
0x1c: {  	p1 =	slt.u32 s9, $0xF7A;
	s5 =	simm.s32 @!p2 $0x0  }
0x1d: {  	s5 =	simm.s32 @p1 $0x1;
	p0 =	seq.s32 s7, s2  }
0x1e: {  	s7 =	smul.u32 @!p0 $0xF7A, s2;
	p2 =	seq.s32 @!p0 s5, $0x0  }
0x1f: {  	s9 =	smul.u32 $0xF7A, s1;
	s8 =	simm.s32 @!p0 $0x1BF5;
	p2 =	por !p2, p0  }
0x20: {  	[sflag:s8] =	ssyncset.s32 @!p0 $0xFFFFF086;
	s6 =	sadd.s32 @!p0 s3, s7;
	s7 =	simm.s32 @!p0 $0x108  }
0x21: {  	s3 =	sadd.s32 s3, s9;
	s6 =	sadd.s32 @!p0 $0x88, s6;
	s7 =	simm.s32 @p2 $0x1082  }
0x22: {  	[simem:s7], [sflag:s8] =	dma.local @!p0 [hbm:s6], $0xF7A  }
0x23: {  	s9 =	sor.u32 $0xD0000000, s2;
	s6 =	simm.s32 $0x108;
	_ =	swait.ge @!p0 [sflag:s8], $0x0  }
0x24: {  	s3 =	sadd.s32 $0x88, s3;
	s6 =	simm.s32 @!p1 $0x1082;
	[sflag:s4] =	ssyncset.s32 $0xFFFFF086  }
0x25: {  	[simem:s6], [sflag:s4] =	dma.local [hbm:s3], $0xF7A  }
0x26: {  	[smem:$0x3F93] =	sst s1;
	(tag) =	ssettag s2;
	_ =	strace s9  }
0x27: {  	s1 =	sld [smem:$0x3FA3]  }
0x28: {  	s2 =	sld [smem:$0x3FA4]  }
0x29: {  	s4 =	sld [smem:$0x3FA6]  }
0x2a: {  	p0 =	seq.s32 s5, $0x0;
	s5 =	sld [smem:$0x3FA7]  }
0x2b: {  	s6 =	sld [smem:$0x3FA8]  }
0x2c: {  	s7 =	sld [smem:$0x3FA9]  }
0x2d: {  	s3 =	simm.s32 $0x108;
	s8 =	sld [smem:$0x3FAA]  }
0x2e: {  	s3 =	simm.s32 @!p0 $0x1082;
	s9 =	sld [smem:$0x3FAB]  }
0x2f: {  	lr =	sadd.s32 s0, s3;
	s0 =	sld [smem:$0x3FA2]  }
0x30: {  	s3 =	sld [smem:$0x3FA5]  }
0x31: {  	[smem:$0x3FAE] =	sst s10  }
0x32: {  	s10 =	sld [smem:$0x3FAC];
	_ =	sdelay $0x3  }
0x33: {  	p0 =	seq.s32 s10, $0x1;
	s10 =	sld [smem:$0x3FAE];
	_ =	sdelay $0x3  }
0x34: {  	[smem:$0x3FAE] =	sst s10  }
0x35: {  	s10 =	sld [smem:$0x3FAD];
	_ =	sdelay $0x3  }
0x36: {  	p1 =	seq.s32 s10, $0x1;
	s10 =	sld [smem:$0x3FAE];
	_ =	sdelay $0x3  }
0x37: {  	[smem:$0x3FAE] =	sst s10  }
0x38: {  	s10 =	sld [smem:$0x3FAF]  }
0x39: {  	_ = 	snop;
	(pc) =	sbr.ind lr, $3  }
0x3a: {  	_ = 	snop  }
0x3b: {  	_ = 	snop  }
0x3c: {  	p2 =	seq.s32 s10, $0x1;
	s10 =	sld [smem:$0x3FAE]  }
0x3d: {  	_ =	shalt  }
0x3e: {  	_ =	shalt  }
0x3f: {  	_ =	shalt  }
0x40: {  	_ =	shalt  }
0x41: {  	_ =	shalt  }
0x42: {  	_ =	shalt  }
0x43: {  	_ =	shalt  }
0x44: {  	_ =	shalt  }
0x45: {  	_ =	shalt  }
0x46: {  	_ =	shalt  }
0x47: {  	_ =	shalt  }
0x48: {  	_ =	shalt  }
0x49: {  	_ =	shalt  }
0x4a: {  	_ =	shalt  }
0x4b: {  	_ =	shalt  }
0x4c: {  	_ =	shalt  }
0x4d: {  	_ =	shalt  }
0x4e: {  	_ =	shalt  }
0x4f: {  	_ =	shalt  }
0x50: {  	_ =	shalt  }
0x51: {  	_ =	shalt  }
0x52: {  	_ =	shalt  }
0x53: {  	_ =	shalt  }
0x54: {  	_ =	shalt  }
0x55: {  	_ =	shalt  }
0x56: {  	_ =	shalt  }
0x57: {  	_ =	shalt  }
0x58: {  	_ =	shalt  }
0x59: {  	_ =	shalt  }
0x5a: {  	_ =	shalt  }
0x5b: {  	_ =	shalt  }
0x5c: {  	_ =	shalt  }
0x5d: {  	_ =	shalt  }
0x5e: {  	_ =	shalt  }
0x5f: {  	_ =	shalt  }
0x60: {  	_ =	shalt  }
0x61: {  	_ =	shalt  }
0x62: {  	_ =	shalt  }
0x63: {  	_ =	shalt  }
0x64: {  	_ =	shalt  }
0x65: {  	_ =	shalt  }
0x66: {  	_ =	shalt  }
0x67: {  	_ =	shalt  }
0x68: {  	_ =	shalt  }
0x69: {  	_ =	shalt  }
0x6a: {  	_ =	shalt  }
0x6b: {  	_ =	shalt  }
0x6c: {  	_ =	shalt  }
0x6d: {  	_ =	shalt  }
0x6e: {  	_ =	shalt  }
0x6f: {  	_ =	shalt  }
0x70: {  	_ =	shalt  }
0x71: {  	_ =	shalt  }
0x72: {  	_ =	shalt  }
0x73: {  	_ =	shalt  }
0x74: {  	_ =	shalt  }
0x75: {  	_ =	shalt  }
0x76: {  	_ =	shalt  }
0x77: {  	_ =	shalt  }
0x78: {  	_ =	shalt  }
0x79: {  	_ =	shalt  }
0x7a: {  	_ =	shalt  }
0x7b: {  	_ =	shalt  }
0x7c: {  	_ =	shalt  }
0x7d: {  	_ =	shalt  }
0x7e: {  	_ =	shalt  }
0x7f: {  	_ =	shalt  }
0x80: {  	_ =	shalt  }
0x81: {  	_ =	shalt  }
0x82: {  	_ =	shalt  }
0x83: {  	_ =	shalt  }
0x84: {  	_ =	shalt  }
0x85: {  	_ =	shalt  }
0x86: {  	_ =	shalt  }
0x87: {  	_ =	shalt  }
.Lfunc_end0:
.L_simem_size_0:
called_computation.1_lowered:
.L_overlay_start_0:
0x88: {  	s2 =	sld [smem:$0x3FD9]  }
0x89: {  	s3 =	sld [smem:$0x3FFE];
	_ =	sdelay $0x1  }
0x8a: {  	s1 =	srdreg.scid  }
0x8b: {  	s0 =	sand.u32 $0x1, s1  }
0x8c: {  	s17 =	sshll.u32 s0, $0xA;
	s2 =	sadd.s32 s3, s2  }
0x8d: {  	s2 =	sadd.s32 s2, s17  }
0x8e: {  	[smem:$0x3FBA] =	sst s2  }
0x8f: {  	_ = 	snop  }
0x90: {  	s2 =	sld [smem:$0x3FC9];
	(tm) =	ssettm $0x1  }
0x91: {  	s18 =	sld [smem:$0x3FFB];
	_ =	sdelay $0x3  }
0x92: {  	_ =	strace s18  }
0x93: {  	s3 =	sld [smem:$0x3FFC];
	_ =	sdelay $0x3  }
0x94: {  	_ =	strace s3  }
0x95: {  	s3 =	sld [smem:$0x3FFD];
	_ =	sdelay $0x3  }
0x96: {  	_ =	strace s3  }
0x97: {  	_ =	strace $0x8FFFFFFF  }
0x98: {  	s19 =	sld [smem:$0x3FDB];
	_ =	sdelay $0x1  }
0x99: {  	s4 =	simm.s32 $_scs_section_size  }
0x9a: {  	s5 =	simm.s32 $_size__tile_overlayer_lowered;
	s6 =	simm.s32 $_tile_overlayer_lowered  }
0x9b: {  	s22 =	simm.s32 $0x1BFF;
	s21 =	sshll.u32 s6, $0x1;
	s3 =	sadd.s32 s4, s19  }
0x9c: {  	s7 =	simm.s32 $0x0;
	s20 =	sshll.u32 s5, $0x1;
	s5 =	sadd.s32 s21, s3  }
0x9d: {  	[timem:s7], [sflag:s22] =	dma.local [hbm:s5], s20  }
0x9e: {  	_ =	swait.ge [sflag:s22], s20  }
0x9f: {  	s4 =	ssub.s32 $0x0, s20;
	[sflag:s22] =	ssyncset.done $0x0  }
0xa0: {  	[sflag:s22] =	ssyncadd.s32 s4;
	_ =	sdelay $0x1  }
0xa1: {  	s23 =	simm.s32 $0x1B8B  }
0xa2: {  	_ =	swait.ge [sflag:s23], $0x1  }
0xa3: {  	[sflag:s23] =	ssyncset.done $0x0  }
0xa4: {  	s25 =	simm.s32 $0x1B8E;
	s24 =	sld [smem:$0x3FFE];
	[sflag:s23] =	ssyncadd.s32 $0xFFFFFFFF  }
0xa5: {  	s26 =	simm.s32 $execute0_lowered;
	[smem:$0x3FD2] =	sst s25  }
0xa6: {  	s5 =	sshll.u32 s26, $0x1;
	_ =	strace $0x80000049;
	[dreg:$0x1] =	wrdreg $0xFFFFFFFF  }
0xa7: {  	s28 =	simm.s32 $_size_execute0_lowered;
	s3 =	sadd.s32 s3, s5;
	[dreg:$0x0] =	wrdreg $0x0  }
0xa8: {  	s5 =	sshll.u32 s28, $0x1;
	[dreg:$0x2] =	wrdreg s3  }
0xa9: {  	[dreg:$0x3] =	wrdreg s5  }
0xaa: {  	[dreg:$0x4] =	wrdreg $0xC0  }
0xab: {  	_ =	task [dreg:s7], $0x5FFFF  }
0xac: {  	[dreg:$0x1] =	wrdreg $0xFFFFFFFF  }
0xad: {  	[dreg:$0x0] =	wrdreg $0x60  }
0xae: {  	[dreg:$0x2] =	wrdreg s2  }
0xaf: {  	[dreg:$0x3] =	wrdreg s24  }
0xb0: {  	[dreg:$0x4] =	wrdreg $0x41000  }
0xb1: {  	[dreg:$0x5] =	wrdreg $0x9  }
0xb2: {  	_ =	task.clear_ibuf [dreg:s7], $0x6FFFF;
	_ =	strace $0x90000049  }
0xb3: {  	s29 =	simm.s32 $0x9;
	_ =	strace $0x8000004B  }
0xb4: {  	_ =	swait.ge [sflag:s29], $0x1  }
0xb5: {  	[sflag:s29] =	ssyncadd.s32 $0xFFFFFFFF  }
0xb6: {  	_ =	strace $0x9000004B  }
0xb7: {  	_ =	sfence  }
0xb8: {  	s30 =	sld [smem:$0x0];
	_ =	sdelay $0x2  }
0xb9: {  	s31 =	sshll.u32 s1, $0xD;
	s1 =	sshrl.u32 s1, $0x2  }
0xba: {  	s3 =	sand.u32 $0x4000, s31;
	s1 =	sadd.s32 s1, s30  }
0xbb: {  	s0 =	sor.u32 s3, s0;
	s1 =	sshll.u32 s1, $0x11  }
0xbc: {  	s0 =	sor.u32 s1, s0  }
0xbd: {  	s0 =	sadd.s32 $0x8F2B, s0  }
0xbe: {  	[sflag:s0] =	ssyncadd.remote.s32 $0x1  }
0xbf: {  	_ =	sfence.sel $0xFFFF  }
0xc0: {  	[dreg:$0x0] =	wrdreg $0xFFFFFFFF;
	(pc) =	sbr.abs _section_cstart, $3  }
0xc1: {  	[dreg:$0x1] =	wrdreg $0xFFFFFFFF  }
0xc2: {  	_ =	task.clear_ibuf [dreg:s7], $0x2FFFF;
	_ =	strace $0x9FFFFFFF  }
0xc3: {  	(tm) =	ssettm $0x7FFFFFFF  }
tec
execute0_lowered:
.L_overlay_start_1:
0x0: {  	(tag) =	ssettag $0x1  }
0x1: {  	s2 =	rddreg [dreg:$0x0]  }
0x2: {  	s5 =	rddreg [dreg:$0x1];
	s0 =	srdreg.scid  }
0x3: {  	s3 =	rddreg [dreg:$0x2];
	s1 =	stileid.u32  }
0x4: {  	s4 =	simm.s32 $0x0;
	s13 =	simm.s32 $0x2;
	s14 =	simm.s32 $0x80  }
0x5: {  	s15 =	simm.s32 $0x100;
	s16 =	simm.s32 $0x1;
	s17 =	simm.s32 $0x0  }
0x6: {  	s6 =	sand.u32 $0x1, s0;
	s0 =	rddreg [dreg:$0x3];
	s26 =	smul.u32 $0x13C00, s1  }
0x7: {  	s7 =	sshll.u32 s1, $0x8;
	[smem:$0x7FF] =	sst s4;
	s29 =	smul.u32 $0x4F000, s1  }
0x8: {  	s31 =	sshll.u32 s1, $0x6;
	p0 =	slt.u32 s1, $0x2;
	s8 =	sshll.u32 s6, $0x7  }
0x9: {  	s9 =	smul.u32 $0x13C000, s6;
	_ =	strace $0x8000004A;
	s6 =	ssub.s32 $0x2, s6  }
0xa: {  	s7 =	sor.u32 s8, s7;
	s28 =	sshrl.u32 s26, $0x3;
	s30 =	sshrl.u32 s6, $0x1  }
0xb: {  	s7 =	sshrl.u32 s7, $0x3;
	s8 =	sadd.s32 s26, s9;
	s9 =	sshrl.u32 s29, $0x2  }
0xc: {  	s10 =	ssub.s32 s6, s30;
	s6 =	simm.s32 $0x4F;
	s11 =	sadd.s32 s7, s5  }
0xd: {  	s7 =	sadd.s32 s28, s5;
	s8 =	sshrl.u32 s8, $0x3;
	s12 =	sadd.s32 s9, s3  }
0xe: {  	s6 =	simm.s32 @!p0 $0x4E;
	s9 =	smax.u32 s10, $0x1;
	s8 =	sadd.s32 s8, s5  }
0xf: {  	s5 =	sadd.s32 $0x22000, s7;
	s7 =	sor.u32 $0x1C02, s31;
	s10 =	sadd.s32 $0xDA00, s11  }
0x10: {  	s11 =	sadd.s32 $0x3C00, s11;
	s12 =	sshrl.u32 s12, $0x3;
	s8 =	sadd.s32 $0x98800, s8  }
.LBB2_1:
0x11: {  	[spmem:s12], [sflag:s7] =	dma.local [hbm:s5], $0x2780  }
0x12: {  	_ =	swait.ge [sflag:s13], $0x2780  }
0x13: {  	[sflag:s13] =	ssyncset.done $0x0  }
0x14: {  	[sflag:s13] =	ssyncadd.s32 $0xFFFFD880  }
0x15: {  	[bflag:$0x0] =	sbarrier.arrive $0xFFFF  }
0x16: {  	[tilespmem:s4], [sflag:$0x2] =	stream.linear.gather [hbm4b:s11+s4], $0x80, $0x38;
	[tilespmem:$0x17D00] =	vst v63  }
0x17: {  	_ =	swait.ge [sflag:s13], $0x80  }
0x18: {  	[sflag:s13] =	ssyncset.done $0x0  }
0x19: {  	[sflag:s13] =	ssyncadd.s32 $0xFFFFFF80  }
0x1a: {  	[tilespmem:s14], [sflag:$0x2] =	stream.linear.gather [hbm4b:s10+s4], $0x80, $0x38;
	[tilespmem:$0x17D00] =	vst v63  }
0x1b: {  	_ =	swait.ge [sflag:s13], $0x80  }
0x1c: {  	[sflag:s13] =	ssyncset.done $0x0  }
0x1d: {  	[sflag:s13] =	ssyncadd.s32 $0xFFFFFF80  }
0x1e: {  	[tilespmem:s15], [sflag:$0x1] =	stream.indirect.gather [hbm4b:s2+s14], $0x80, s4, s14, $0xb8;
	[tilespmem:$0x17D00] =	vst v63  }
0x1f: {  	p0 =	sne.s32 s6, $0x1;
	_ =	swait.ge [sflag:s16], $0x4000  }
.Ltmp0:
0x20: {  	[sflag:s16] =	ssyncset.done $0x0;
	(pc) =	sbr.rel @!p0 .LBB2_3-.Ltmp0, $4  }
0x21: {  	[sflag:s16] =	ssyncadd.s32 $0xFFFFC000  }
0x22: {  	[spmem:s3] =	stream.indirect.scatter.add.f32 [tilespmem:s15], [sflag:$0x2], $0x80, s14, s14, $0xb8;
	[tilespmem:$0x17D00] =	vst v63  }
0x23: {  	s18 =	sadd.s32 $0xFFFFFFFF, s6;
	_ =	swait.ge [sflag:s13], $0x4000  }
0x24: {  	s19 =	smov.u32 s10;
	s20 =	smov.u32 s11;
	[sflag:s13] =	ssyncset.done $0x0  }
.LBB2_2:
0x25: {  	[sflag:s13] =	ssyncadd.s32 $0xFFFFC000;
	s19 =	sadd.s32 $0x200, s19;
	s20 =	sadd.s32 $0x200, s20  }
0x26: {  	[tilespmem:s4], [sflag:$0x2] =	stream.linear.gather [hbm4b:s20+s4], $0x80, $0x38;
	[tilespmem:$0x17D00] =	vst v63  }
0x27: {  	p0 =	sne.s32 s18, $0x1;
	s18 =	sadd.s32 $0xFFFFFFFF, s18;
	_ =	swait.ge [sflag:s13], $0x80  }
0x28: {  	[sflag:s13] =	ssyncset.done $0x0  }
0x29: {  	[sflag:s13] =	ssyncadd.s32 $0xFFFFFF80  }
0x2a: {  	[tilespmem:s14], [sflag:$0x2] =	stream.linear.gather [hbm4b:s19+s4], $0x80, $0x38;
	[tilespmem:$0x17D00] =	vst v63  }
0x2b: {  	_ =	swait.ge [sflag:s13], $0x80  }
0x2c: {  	[sflag:s13] =	ssyncset.done $0x0  }
0x2d: {  	[sflag:s13] =	ssyncadd.s32 $0xFFFFFF80  }
0x2e: {  	[tilespmem:s15], [sflag:$0x1] =	stream.indirect.gather [hbm4b:s2+s14], $0x80, s4, s14, $0xb8;
	[tilespmem:$0x17D00] =	vst v63  }
0x2f: {  	_ =	swait.ge [sflag:s16], $0x4000  }
.Ltmp1:
0x30: {  	[sflag:s16] =	ssyncset.done $0x0;
	(pc) =	sbr.rel @p0 .LBB2_2-.Ltmp1, $4  }
0x31: {  	[sflag:s16] =	ssyncadd.s32 $0xFFFFC000  }
0x32: {  	[spmem:s3] =	stream.indirect.scatter.add.f32 [tilespmem:s15], [sflag:$0x2], $0x80, s14, s14, $0xb8;
	[tilespmem:$0x17D00] =	vst v63  }
0x33: {  	_ =	swait.ge [sflag:s13], $0x4000  }
0x34: {  	[sflag:s13] =	ssyncset.done $0x0  }
.LBB2_3:
0x35: {  	s17 =	sadd.s32 $0x1, s17  }
0x36: {  	[sflag:s13] =	ssyncadd.s32 $0xFFFFC000;
	p0 =	sne.s32 s17, s9  }
.Ltmp2:
0x37: {  	[bflag:$0x0] =	sbarrier.arrive $0xFFFF;
	(pc) =	sbr.rel @p0 .LBB2_1-.Ltmp2, $4  }
0x38: {  	[hbm:s8], [sflag:s7] =	dma.local [spmem:s12], $0x2780  }
0x39: {  	_ =	swait.ge [sflag:s13], $0x2780  }
0x3a: {  	[sflag:s13] =	ssyncset.done $0x0  }
0x3b: {  	[sflag:s13] =	ssyncadd.s32 $0xFFFFD880  }
0x3c: {  	_ =	sfence.sel $0x180000  }
0x3d: {  	[bflag:$0x0] =	sbarrier.arrive $0xFFFF  }
0x3e: {  	p0 =	sne.s32 s1, $0x0;
	_ =	strace $0x9000004A  }
0x3f: {  	s0 =	sadd.s32 @!p0 $0x100000, s0;
	[bflag:$0x2] =	sbarrier.arrive $0xFFFF  }
0x40: {  	[sflag:s0] =	ssyncadd.tile.s32 @!p0 $0x1;
	_ =	shalt  }
.Lfunc_end2:
_tile_overlayer_lowered:
.L_overlay_start_2:
0x41: {  	(tag) =	ssettag $0x2  }
0x42: {  	s0 =	rddreg [dreg:$0x0];
	s2 =	stileid.u32  }
0x43: {  	s1 =	rddreg [dreg:$0x1];
	p0 =	sne.s32 s2, $0x0  }
0x44: {  	s3 =	rddreg [dreg:$0x2];
	[bflag:$0x3] =	sbarrier.arrive $0xFFFF;
	s2 =	simm.s32 @!p0 $0x1C02  }
0x45: {  	[timem:s3], [sflag:s2] =	dma.local @!p0 [hbm:s0], s1  }
0x46: {  	s0 =	simm.s32 @!p0 $0x2  }
0x47: {  	_ =	swait.ge @!p0 [sflag:s0], s1  }
0x48: {  	s1 =	ssub.s32 @!p0 $0x0, s1;
	[sflag:s0] =	ssyncset.done @!p0 $0x0  }
0x49: {  	[sflag:s0] =	ssyncadd.s32 @!p0 s1  }
0x4a: {  	[bflag:$0x3] =	sbarrier.arrive $0xFFFF  }
0x4b: {  	_ =	shalt  }

// kernel: kernel.18.cloned.1.call-start
scs
__scs_entry_jumppad:
0x0: {  	(pc) =	sbr.rel $0x88, $3  }
0x1: {  	(tag) =	ssettag $0x0;
	lr =	simm.s32 $0x1  }
0x2: {  	[smem:$0x3F93] =	sst lr;
	_ =	strace $0xD0000000  }
0x3: {  	_ = 	snop  }
0x4: {  	_ = 	snop  }
0x5: {  	_ = 	snop  }
0x6: {  	_ = 	snop  }
0x7: {  	_ = 	snop  }
__scs_overlays_trampoline_lowered:
0x8: {  	[smem:$0x3FA2] =	sst s0  }
0x9: {  	[smem:$0x3FA3] =	sst s1  }
0xa: {  	[smem:$0x3FA4] =	sst s2  }
0xb: {  	[smem:$0x3FA5] =	sst s3  }
0xc: {  	[smem:$0x3FA6] =	sst s4  }
0xd: {  	[smem:$0x3FA7] =	sst s5  }
0xe: {  	[smem:$0x3FA8] =	sst s6  }
0xf: {  	[smem:$0x3FA9] =	sst s7  }
0x10: {  	[smem:$0x3FAA] =	sst s8  }
0x11: {  	[smem:$0x3FAB] =	sst s9;
	s0 =	simm.s32 @!p0 $0x0  }
0x12: {  	s1 =	sld [smem:$0x3F91];
	s0 =	simm.s32 @p0 $0x1  }
0x13: {  	[smem:$0x3FAC] =	sst s0;
	s0 =	simm.s32 @!p1 $0x0  }
0x14: {  	s2 =	sld [smem:$0x3F90];
	s0 =	simm.s32 @p1 $0x1  }
0x15: {  	[smem:$0x3FAD] =	sst s0;
	s0 =	simm.s32 @!p2 $0x0  }
0x16: {  	s3 =	sld [smem:$0x3FDB];
	s0 =	simm.s32 @p2 $0x1  }
0x17: {  	s4 =	simm.s32 $0x1BF5;
	[smem:$0x3FAF] =	sst s0  }
0x18: {  	s0 =	sld [smem:$0x3F92];
	_ =	swait.ge [sflag:s4], $0x0  }
0x19: {  	s7 =	sld [smem:$0x3F93]  }
0x1a: {  	s8 =	sadd.s32 $0xFFFFE003, lr  }
0x1b: {  	s9 =	sadd.s32 $0xFFFFFEF7, lr;
	s5 =	simm.s32 $0xFFFFFFFF;
	p2 =	slt.u32 s8, $0xFFFFF086  }
0x1c: {  	p1 =	slt.u32 s9, $0xF7A;
	s5 =	simm.s32 @!p2 $0x0  }
0x1d: {  	s5 =	simm.s32 @p1 $0x1;
	p0 =	seq.s32 s7, s2  }
0x1e: {  	s7 =	smul.u32 @!p0 $0xF7A, s2;
	p2 =	seq.s32 @!p0 s5, $0x0  }
0x1f: {  	s9 =	smul.u32 $0xF7A, s1;
	s8 =	simm.s32 @!p0 $0x1BF5;
	p2 =	por !p2, p0  }
0x20: {  	[sflag:s8] =	ssyncset.s32 @!p0 $0xFFFFF086;
	s6 =	sadd.s32 @!p0 s3, s7;
	s7 =	simm.s32 @!p0 $0x108  }
0x21: {  	s3 =	sadd.s32 s3, s9;
	s6 =	sadd.s32 @!p0 $0x88, s6;
	s7 =	simm.s32 @p2 $0x1082  }
0x22: {  	[simem:s7], [sflag:s8] =	dma.local @!p0 [hbm:s6], $0xF7A  }
0x23: {  	s9 =	sor.u32 $0xD0000000, s2;
	s6 =	simm.s32 $0x108;
	_ =	swait.ge @!p0 [sflag:s8], $0x0  }
0x24: {  	s3 =	sadd.s32 $0x88, s3;
	s6 =	simm.s32 @!p1 $0x1082;
	[sflag:s4] =	ssyncset.s32 $0xFFFFF086  }
0x25: {  	[simem:s6], [sflag:s4] =	dma.local [hbm:s3], $0xF7A  }
0x26: {  	[smem:$0x3F93] =	sst s1;
	(tag) =	ssettag s2;
	_ =	strace s9  }
0x27: {  	s1 =	sld [smem:$0x3FA3]  }
0x28: {  	s2 =	sld [smem:$0x3FA4]  }
0x29: {  	s4 =	sld [smem:$0x3FA6]  }
0x2a: {  	p0 =	seq.s32 s5, $0x0;
	s5 =	sld [smem:$0x3FA7]  }
0x2b: {  	s6 =	sld [smem:$0x3FA8]  }
0x2c: {  	s7 =	sld [smem:$0x3FA9]  }
0x2d: {  	s3 =	simm.s32 $0x108;
	s8 =	sld [smem:$0x3FAA]  }
0x2e: {  	s3 =	simm.s32 @!p0 $0x1082;
	s9 =	sld [smem:$0x3FAB]  }
0x2f: {  	lr =	sadd.s32 s0, s3;
	s0 =	sld [smem:$0x3FA2]  }
0x30: {  	s3 =	sld [smem:$0x3FA5]  }
0x31: {  	[smem:$0x3FAE] =	sst s10  }
0x32: {  	s10 =	sld [smem:$0x3FAC];
	_ =	sdelay $0x3  }
0x33: {  	p0 =	seq.s32 s10, $0x1;
	s10 =	sld [smem:$0x3FAE];
	_ =	sdelay $0x3  }
0x34: {  	[smem:$0x3FAE] =	sst s10  }
0x35: {  	s10 =	sld [smem:$0x3FAD];
	_ =	sdelay $0x3  }
0x36: {  	p1 =	seq.s32 s10, $0x1;
	s10 =	sld [smem:$0x3FAE];
	_ =	sdelay $0x3  }
0x37: {  	[smem:$0x3FAE] =	sst s10  }
0x38: {  	s10 =	sld [smem:$0x3FAF]  }
0x39: {  	_ = 	snop;
	(pc) =	sbr.ind lr, $3  }
0x3a: {  	_ = 	snop  }
0x3b: {  	_ = 	snop  }
0x3c: {  	p2 =	seq.s32 s10, $0x1;
	s10 =	sld [smem:$0x3FAE]  }
0x3d: {  	_ =	shalt  }
0x3e: {  	_ =	shalt  }
0x3f: {  	_ =	shalt  }
0x40: {  	_ =	shalt  }
0x41: {  	_ =	shalt  }
0x42: {  	_ =	shalt  }
0x43: {  	_ =	shalt  }
0x44: {  	_ =	shalt  }
0x45: {  	_ =	shalt  }
0x46: {  	_ =	shalt  }
0x47: {  	_ =	shalt  }
0x48: {  	_ =	shalt  }
0x49: {  	_ =	shalt  }
0x4a: {  	_ =	shalt  }
0x4b: {  	_ =	shalt  }
0x4c: {  	_ =	shalt  }
0x4d: {  	_ =	shalt  }
0x4e: {  	_ =	shalt  }
0x4f: {  	_ =	shalt  }
0x50: {  	_ =	shalt  }
0x51: {  	_ =	shalt  }
0x52: {  	_ =	shalt  }
0x53: {  	_ =	shalt  }
0x54: {  	_ =	shalt  }
0x55: {  	_ =	shalt  }
0x56: {  	_ =	shalt  }
0x57: {  	_ =	shalt  }
0x58: {  	_ =	shalt  }
0x59: {  	_ =	shalt  }
0x5a: {  	_ =	shalt  }
0x5b: {  	_ =	shalt  }
0x5c: {  	_ =	shalt  }
0x5d: {  	_ =	shalt  }
0x5e: {  	_ =	shalt  }
0x5f: {  	_ =	shalt  }
0x60: {  	_ =	shalt  }
0x61: {  	_ =	shalt  }
0x62: {  	_ =	shalt  }
0x63: {  	_ =	shalt  }
0x64: {  	_ =	shalt  }
0x65: {  	_ =	shalt  }
0x66: {  	_ =	shalt  }
0x67: {  	_ =	shalt  }
0x68: {  	_ =	shalt  }
0x69: {  	_ =	shalt  }
0x6a: {  	_ =	shalt  }
0x6b: {  	_ =	shalt  }
0x6c: {  	_ =	shalt  }
0x6d: {  	_ =	shalt  }
0x6e: {  	_ =	shalt  }
0x6f: {  	_ =	shalt  }
0x70: {  	_ =	shalt  }
0x71: {  	_ =	shalt  }
0x72: {  	_ =	shalt  }
0x73: {  	_ =	shalt  }
0x74: {  	_ =	shalt  }
0x75: {  	_ =	shalt  }
0x76: {  	_ =	shalt  }
0x77: {  	_ =	shalt  }
0x78: {  	_ =	shalt  }
0x79: {  	_ =	shalt  }
0x7a: {  	_ =	shalt  }
0x7b: {  	_ =	shalt  }
0x7c: {  	_ =	shalt  }
0x7d: {  	_ =	shalt  }
0x7e: {  	_ =	shalt  }
0x7f: {  	_ =	shalt  }
0x80: {  	_ =	shalt  }
0x81: {  	_ =	shalt  }
0x82: {  	_ =	shalt  }
0x83: {  	_ =	shalt  }
0x84: {  	_ =	shalt  }
0x85: {  	_ =	shalt  }
0x86: {  	_ =	shalt  }
0x87: {  	_ =	shalt  }
.Lfunc_end0:
.L_simem_size_0:
called_computation.2_lowered:
.L_overlay_start_0:
0x88: {  	s2 =	sld [smem:$0x3FD9]  }
0x89: {  	s3 =	sld [smem:$0x3FFE];
	_ =	sdelay $0x1  }
0x8a: {  	s1 =	srdreg.scid  }
0x8b: {  	s0 =	sand.u32 $0x1, s1  }
0x8c: {  	s16 =	sshll.u32 s0, $0xA;
	s2 =	sadd.s32 s3, s2  }
0x8d: {  	s2 =	sadd.s32 s2, s16  }
0x8e: {  	[smem:$0x3FBA] =	sst s2  }
0x8f: {  	_ = 	snop  }
0x90: {  	(tm) =	ssettm $0x1  }
0x91: {  	s17 =	sld [smem:$0x3FFB];
	_ =	sdelay $0x3  }
0x92: {  	_ =	strace s17  }
0x93: {  	s2 =	sld [smem:$0x3FFC];
	_ =	sdelay $0x3  }
0x94: {  	_ =	strace s2  }
0x95: {  	s2 =	sld [smem:$0x3FFD];
	_ =	sdelay $0x3  }
0x96: {  	_ =	strace s2  }
0x97: {  	_ =	strace $0x8FFFFFFF  }
0x98: {  	s18 =	sld [smem:$0x3FDB];
	_ =	sdelay $0x1  }
0x99: {  	s19 =	simm.s32 $_scs_section_size  }
0x9a: {  	s4 =	simm.s32 $_size__tile_overlayer_lowered;
	s5 =	simm.s32 $_tile_overlayer_lowered  }
0x9b: {  	s22 =	simm.s32 $0x1BFF;
	s21 =	sshll.u32 s5, $0x1;
	s2 =	sadd.s32 s19, s18  }
0x9c: {  	s6 =	simm.s32 $0x0;
	s20 =	sshll.u32 s4, $0x1;
	s4 =	sadd.s32 s21, s2  }
0x9d: {  	[timem:s6], [sflag:s22] =	dma.local [hbm:s4], s20  }
0x9e: {  	_ =	swait.ge [sflag:s22], s20  }
0x9f: {  	s3 =	ssub.s32 $0x0, s20;
	[sflag:s22] =	ssyncset.done $0x0  }
0xa0: {  	[sflag:s22] =	ssyncadd.s32 s3;
	_ =	sdelay $0x1  }
0xa1: {  	s23 =	simm.s32 $0x1B8B  }
0xa2: {  	_ =	swait.ge [sflag:s23], $0x1  }
0xa3: {  	[sflag:s23] =	ssyncset.done $0x0  }
0xa4: {  	s25 =	simm.s32 $0x1B8E;
	s24 =	sld [smem:$0x3FFE];
	[sflag:s23] =	ssyncadd.s32 $0xFFFFFFFF  }
0xa5: {  	s26 =	simm.s32 $execute0_lowered;
	[smem:$0x3FD2] =	sst s25  }
0xa6: {  	s4 =	sshll.u32 s26, $0x1;
	_ =	strace $0x8000004C;
	[dreg:$0x1] =	wrdreg $0xFFFFFFFF  }
0xa7: {  	s28 =	simm.s32 $_size_execute0_lowered;
	s2 =	sadd.s32 s2, s4;
	[dreg:$0x0] =	wrdreg $0x0  }
0xa8: {  	s4 =	sshll.u32 s28, $0x1;
	[dreg:$0x2] =	wrdreg s2  }
0xa9: {  	[dreg:$0x3] =	wrdreg s4  }
0xaa: {  	[dreg:$0x4] =	wrdreg $0xC0  }
0xab: {  	_ =	task [dreg:s6], $0x5FFFF  }
0xac: {  	[dreg:$0x1] =	wrdreg $0xFFFFFFFF  }
0xad: {  	[dreg:$0x0] =	wrdreg $0x60  }
0xae: {  	[dreg:$0x2] =	wrdreg s24  }
0xaf: {  	[dreg:$0x3] =	wrdreg $0x41000  }
0xb0: {  	[dreg:$0x4] =	wrdreg $0x9  }
0xb1: {  	_ =	task.clear_ibuf [dreg:s6], $0x5FFFF;
	_ =	strace $0x9000004C  }
0xb2: {  	s29 =	simm.s32 $0x9;
	_ =	strace $0x8000004E  }
0xb3: {  	_ =	swait.ge [sflag:s29], $0x1  }
0xb4: {  	[sflag:s29] =	ssyncadd.s32 $0xFFFFFFFF  }
0xb5: {  	_ =	strace $0x9000004E  }
0xb6: {  	_ =	sfence  }
0xb7: {  	s30 =	sld [smem:$0x0];
	_ =	sdelay $0x2  }
0xb8: {  	s31 =	sshll.u32 s1, $0xD;
	s1 =	sshrl.u32 s1, $0x2  }
0xb9: {  	s3 =	sand.u32 $0x4000, s31;
	s1 =	sadd.s32 s1, s30  }
0xba: {  	s0 =	sor.u32 s3, s0;
	s1 =	sshll.u32 s1, $0x11  }
0xbb: {  	s0 =	sor.u32 s1, s0  }
0xbc: {  	s0 =	sadd.s32 $0x8F2B, s0  }
0xbd: {  	[sflag:s0] =	ssyncadd.remote.s32 $0x1  }
0xbe: {  	_ =	sfence.sel $0xFFFF  }
0xbf: {  	[dreg:$0x0] =	wrdreg $0xFFFFFFFF;
	(pc) =	sbr.abs _section_cstart, $3  }
0xc0: {  	[dreg:$0x1] =	wrdreg $0xFFFFFFFF  }
0xc1: {  	_ =	task.clear_ibuf [dreg:s6], $0x2FFFF;
	_ =	strace $0x9FFFFFFF  }
0xc2: {  	(tm) =	ssettm $0x7FFFFFFF  }
0xc3: {  	_ =	shalt  }
tec
execute0_lowered:
.L_overlay_start_1:
0x0: {  	(tag) =	ssettag $0x1  }
0x1: {  	s5 =	rddreg [dreg:$0x0];
	s0 =	srdreg.scid  }
0x2: {  	s2 =	rddreg [dreg:$0x1];
	s1 =	stileid.u32;
	s3 =	simm.s32 $0x0  }
0x3: {  	s13 =	simm.s32 $0x2;
	s14 =	simm.s32 $0x80;
	s15 =	simm.s32 $0x100  }
0x4: {  	s16 =	simm.s32 $0x1;
	s17 =	simm.s32 $0x0;
	s6 =	sand.u32 $0x1, s0  }
0x5: {  	s0 =	rddreg [dreg:$0x2];
	s4 =	sshll.u32 s1, $0x8;
	s24 =	smul.u32 $0x13C00, s1  }
0x6: {  	[smem:$0x7FF] =	sst s3;
	s26 =	smul.u32 $0x4F000, s1;
	s31 =	sshll.u32 s1, $0x6  }
0x7: {  	p0 =	slt.u32 s1, $0x2;
	s7 =	sshll.u32 s6, $0x7;
	s9 =	smul.u32 $0x13C000, s6  }
0x8: {  	_ =	strace $0x8000004D;
	s6 =	ssub.s32 $0x2, s6;
	s4 =	sor.u32 s7, s4  }
0x9: {  	s25 =	sshrl.u32 s24, $0x3;
	s28 =	sshrl.u32 s6, $0x1;
	s29 =	sshrl.u32 s26, $0x2  }
0xa: {  	s8 =	sshrl.u32 s4, $0x3;
	s4 =	sadd.s32 $0x70A00, s5;
	s7 =	sadd.s32 s24, s9  }
0xb: {  	s30 =	ssub.s32 s6, s28;
	s12 =	sadd.s32 s29, s2;
	s6 =	simm.s32 $0x4F  }
0xc: {  	s11 =	sadd.s32 s8, s5;
	s8 =	sadd.s32 s25, s5;
	s7 =	sshrl.u32 s7, $0x3  }
0xd: {  	s6 =	simm.s32 @!p0 $0x4E;
	s9 =	smax.u32 s30, $0x1;
	s12 =	sshrl.u32 s12, $0x3  }
0xe: {  	s10 =	sadd.s32 s7, s5;
	s5 =	sadd.s32 $0x22000, s8;
	s7 =	sor.u32 $0x1C02, s31  }
0xf: {  	s8 =	sadd.s32 $0x97C00, s10;
	s10 =	sadd.s32 $0xDA00, s11;
	s11 =	sadd.s32 $0x3C00, s11  }
.LBB2_1:
0x10: {  	[spmem:s12], [sflag:s7] =	dma.local [hbm:s5], $0x2780  }
0x11: {  	_ =	swait.ge [sflag:s13], $0x2780  }
0x12: {  	[sflag:s13] =	ssyncset.done $0x0  }
0x13: {  	[sflag:s13] =	ssyncadd.s32 $0xFFFFD880  }
0x14: {  	[bflag:$0x0] =	sbarrier.arrive $0xFFFF  }
0x15: {  	[tilespmem:s3], [sflag:$0x2] =	stream.linear.gather [hbm4b:s11+s3], $0x80, $0x38;
	[tilespmem:$0x17D00] =	vst v63  }
0x16: {  	_ =	swait.ge [sflag:s13], $0x80  }
0x17: {  	[sflag:s13] =	ssyncset.done $0x0  }
0x18: {  	[sflag:s13] =	ssyncadd.s32 $0xFFFFFF80  }
0x19: {  	[tilespmem:s14], [sflag:$0x2] =	stream.linear.gather [hbm4b:s10+s3], $0x80, $0x38;
	[tilespmem:$0x17D00] =	vst v63  }
0x1a: {  	_ =	swait.ge [sflag:s13], $0x80  }
0x1b: {  	[sflag:s13] =	ssyncset.done $0x0  }
0x1c: {  	[sflag:s13] =	ssyncadd.s32 $0xFFFFFF80  }
0x1d: {  	[tilespmem:s15], [sflag:$0x1] =	stream.indirect.gather [hbm4b:s4+s14], $0x80, s3, s14, $0xb8;
	[tilespmem:$0x17D00] =	vst v63  }
0x1e: {  	p0 =	sne.s32 s6, $0x1;
	_ =	swait.ge [sflag:s16], $0x4000  }
.Ltmp0:
0x1f: {  	[sflag:s16] =	ssyncset.done $0x0;
	(pc) =	sbr.rel @!p0 .LBB2_3-.Ltmp0, $4  }
0x20: {  	[sflag:s16] =	ssyncadd.s32 $0xFFFFC000  }
0x21: {  	[spmem:s2] =	stream.indirect.scatter.add.f32 [tilespmem:s15], [sflag:$0x2], $0x80, s14, s14, $0xb8;
	[tilespmem:$0x17D00] =	vst v63  }
0x22: {  	s18 =	sadd.s32 $0xFFFFFFFF, s6;
	_ =	swait.ge [sflag:s13], $0x4000  }
0x23: {  	s19 =	smov.u32 s10;
	s20 =	smov.u32 s11;
	[sflag:s13] =	ssyncset.done $0x0  }
.LBB2_2:
0x24: {  	[sflag:s13] =	ssyncadd.s32 $0xFFFFC000;
	s19 =	sadd.s32 $0x200, s19;
	s20 =	sadd.s32 $0x200, s20  }
0x25: {  	[tilespmem:s3], [sflag:$0x2] =	stream.linear.gather [hbm4b:s20+s3], $0x80, $0x38;
	[tilespmem:$0x17D00] =	vst v63  }
0x26: {  	p0 =	sne.s32 s18, $0x1;
	s18 =	sadd.s32 $0xFFFFFFFF, s18;
	_ =	swait.ge [sflag:s13], $0x80  }
0x27: {  	[sflag:s13] =	ssyncset.done $0x0  }
0x28: {  	[sflag:s13] =	ssyncadd.s32 $0xFFFFFF80  }
0x29: {  	[tilespmem:s14], [sflag:$0x2] =	stream.linear.gather [hbm4b:s19+s3], $0x80, $0x38;
	[tilespmem:$0x17D00] =	vst v63  }
0x2a: {  	_ =	swait.ge [sflag:s13], $0x80  }
0x2b: {  	[sflag:s13] =	ssyncset.done $0x0  }
0x2c: {  	[sflag:s13] =	ssyncadd.s32 $0xFFFFFF80  }
0x2d: {  	[tilespmem:s15], [sflag:$0x1] =	stream.indirect.gather [hbm4b:s4+s14], $0x80, s3, s14, $0xb8;
	[tilespmem:$0x17D00] =	vst v63  }
0x2e: {  	_ =	swait.ge [sflag:s16], $0x4000  }
.Ltmp1:
0x2f: {  	[sflag:s16] =	ssyncset.done $0x0;
	(pc) =	sbr.rel @p0 .LBB2_2-.Ltmp1, $4  }
0x30: {  	[sflag:s16] =	ssyncadd.s32 $0xFFFFC000  }
0x31: {  	[spmem:s2] =	stream.indirect.scatter.add.f32 [tilespmem:s15], [sflag:$0x2], $0x80, s14, s14, $0xb8;
	[tilespmem:$0x17D00] =	vst v63  }
0x32: {  	_ =	swait.ge [sflag:s13], $0x4000  }
0x33: {  	[sflag:s13] =	ssyncset.done $0x0  }
.LBB2_3:
0x34: {  	s17 =	sadd.s32 $0x1, s17  }
0x35: {  	[sflag:s13] =	ssyncadd.s32 $0xFFFFC000;
	p0 =	sne.s32 s17, s9  }
.Ltmp2:
0x36: {  	[bflag:$0x0] =	sbarrier.arrive $0xFFFF;
	(pc) =	sbr.rel @p0 .LBB2_1-.Ltmp2, $4  }
0x37: {  	[hbm:s8], [sflag:s7] =	dma.local [spmem:s12], $0x2780  }
0x38: {  	_ =	swait.ge [sflag:s13], $0x2780  }
0x39: {  	[sflag:s13] =	ssyncset.done $0x0  }
0x3a: {  	[sflag:s13] =	ssyncadd.s32 $0xFFFFD880  }
0x3b: {  	_ =	sfence.sel $0x180000  }
0x3c: {  	[bflag:$0x0] =	sbarrier.arrive $0xFFFF  }
0x3d: {  	p0 =	sne.s32 s1, $0x0;
	_ =	strace $0x9000004D  }
0x3e: {  	s0 =	sadd.s32 @!p0 $0x100000, s0;
	[bflag:$0x2] =	sbarrier.arrive $0xFFFF  }
0x3f: {  	[sflag:s0] =	ssyncadd.tile.s32 @!p0 $0x1;
	_ =	shalt  }
.Lfunc_end2:
_tile_overlayer_lowered:
.L_overlay_start_2:
0x40: {  	(tag) =	ssettag $0x2  }
0x41: {  	s0 =	rddreg [dreg:$0x0];
	s2 =	stileid.u32  }
0x42: {  	s1 =	rddreg [dreg:$0x1];
	p0 =	sne.s32 s2, $0x0  }
0x43: {  	s3 =	rddreg [dreg:$0x2];
	[bflag:$0x3] =	sbarrier.arrive $0xFFFF;
	s2 =	simm.s32 @!p0 $0x1C02  }
0x44: {  	[timem:s3], [sflag:s2] =	dma.local @!p0 [hbm:s0], s1  }
0x45: {  	s0 =	simm.s32 @!p0 $0x2  }
0x46: {  	_ =	swait.ge @!p0 [sflag:s0], s1  }
0x47: {  	s1 =	ssub.s32 @!p0 $0x0, s1;
	[sflag:s0] =	ssyncset.done @!p0 $0x0  }
0x48: {  	[sflag:s0] =	ssyncadd.s32 @!p0 s1  }
0x49: {  	[bflag:$0x3] =	sbarrier.arrive $0xFFFF  }
0x4a: {  	_ =	shalt  }

// kernel: kernel.21.cloned.1.call-start
scs
__scs_entry_jumppad:
0x0: {  	(pc) =	sbr.rel $0x88, $3  }
0x1: {  	(tag) =	ssettag $0x0;
	lr =	simm.s32 $0x1  }
0x2: {  	[smem:$0x3F93] =	sst lr;
	_ =	strace $0xD0000000  }
0x3: {  	_ = 	snop  }
0x4: {  	_ = 	snop  }
0x5: {  	_ = 	snop  }
0x6: {  	_ = 	snop  }
0x7: {  	_ = 	snop  }
__scs_overlays_trampoline_lowered:
0x8: {  	[smem:$0x3FA2] =	sst s0  }
0x9: {  	[smem:$0x3FA3] =	sst s1  }
0xa: {  	[smem:$0x3FA4] =	sst s2  }
0xb: {  	[smem:$0x3FA5] =	sst s3  }
0xc: {  	[smem:$0x3FA6] =	sst s4  }
0xd: {  	[smem:$0x3FA7] =	sst s5  }
0xe: {  	[smem:$0x3FA8] =	sst s6  }
0xf: {  	[smem:$0x3FA9] =	sst s7  }
0x10: {  	[smem:$0x3FAA] =	sst s8  }
0x11: {  	[smem:$0x3FAB] =	sst s9;
	s0 =	simm.s32 @!p0 $0x0  }
0x12: {  	s1 =	sld [smem:$0x3F91];
	s0 =	simm.s32 @p0 $0x1  }
0x13: {  	[smem:$0x3FAC] =	sst s0;
	s0 =	simm.s32 @!p1 $0x0  }
0x14: {  	s2 =	sld [smem:$0x3F90];
	s0 =	simm.s32 @p1 $0x1  }
0x15: {  	[smem:$0x3FAD] =	sst s0;
	s0 =	simm.s32 @!p2 $0x0  }
0x16: {  	s3 =	sld [smem:$0x3FDB];
	s0 =	simm.s32 @p2 $0x1  }
0x17: {  	s4 =	simm.s32 $0x1BF5;
	[smem:$0x3FAF] =	sst s0  }
0x18: {  	s0 =	sld [smem:$0x3F92];
	_ =	swait.ge [sflag:s4], $0x0  }
0x19: {  	s7 =	sld [smem:$0x3F93]  }
0x1a: {  	s8 =	sadd.s32 $0xFFFFE003, lr  }
0x1b: {  	s9 =	sadd.s32 $0xFFFFFEF7, lr;
	s5 =	simm.s32 $0xFFFFFFFF;
	p2 =	slt.u32 s8, $0xFFFFF086  }
0x1c: {  	p1 =	slt.u32 s9, $0xF7A;
	s5 =	simm.s32 @!p2 $0x0  }
0x1d: {  	s5 =	simm.s32 @p1 $0x1;
	p0 =	seq.s32 s7, s2  }
0x1e: {  	s7 =	smul.u32 @!p0 $0xF7A, s2;
	p2 =	seq.s32 @!p0 s5, $0x0  }
0x1f: {  	s9 =	smul.u32 $0xF7A, s1;
	s8 =	simm.s32 @!p0 $0x1BF5;
	p2 =	por !p2, p0  }
0x20: {  	[sflag:s8] =	ssyncset.s32 @!p0 $0xFFFFF086;
	s6 =	sadd.s32 @!p0 s3, s7;
	s7 =	simm.s32 @!p0 $0x108  }
0x21: {  	s3 =	sadd.s32 s3, s9;
	s6 =	sadd.s32 @!p0 $0x88, s6;
	s7 =	simm.s32 @p2 $0x1082  }
0x22: {  	[simem:s7], [sflag:s8] =	dma.local @!p0 [hbm:s6], $0xF7A  }
0x23: {  	s9 =	sor.u32 $0xD0000000, s2;
	s6 =	simm.s32 $0x108;
	_ =	swait.ge @!p0 [sflag:s8], $0x0  }
0x24: {  	s3 =	sadd.s32 $0x88, s3;
	s6 =	simm.s32 @!p1 $0x1082;
	[sflag:s4] =	ssyncset.s32 $0xFFFFF086  }
0x25: {  	[simem:s6], [sflag:s4] =	dma.local [hbm:s3], $0xF7A  }
0x26: {  	[smem:$0x3F93] =	sst s1;
	(tag) =	ssettag s2;
	_ =	strace s9  }
0x27: {  	s1 =	sld [smem:$0x3FA3]  }
0x28: {  	s2 =	sld [smem:$0x3FA4]  }
0x29: {  	s4 =	sld [smem:$0x3FA6]  }
0x2a: {  	p0 =	seq.s32 s5, $0x0;
	s5 =	sld [smem:$0x3FA7]  }
0x2b: {  	s6 =	sld [smem:$0x3FA8]  }
0x2c: {  	s7 =	sld [smem:$0x3FA9]  }
0x2d: {  	s3 =	simm.s32 $0x108;
	s8 =	sld [smem:$0x3FAA]  }
0x2e: {  	s3 =	simm.s32 @!p0 $0x1082;
	s9 =	sld [smem:$0x3FAB]  }
0x2f: {  	lr =	sadd.s32 s0, s3;
	s0 =	sld [smem:$0x3FA2]  }
0x30: {  	s3 =	sld [smem:$0x3FA5]  }
0x31: {  	[smem:$0x3FAE] =	sst s10  }
0x32: {  	s10 =	sld [smem:$0x3FAC];
	_ =	sdelay $0x3  }
0x33: {  	p0 =	seq.s32 s10, $0x1;
	s10 =	sld [smem:$0x3FAE];
	_ =	sdelay $0x3  }
0x34: {  	[smem:$0x3FAE] =	sst s10  }
0x35: {  	s10 =	sld [smem:$0x3FAD];
	_ =	sdelay $0x3  }
0x36: {  	p1 =	seq.s32 s10, $0x1;
	s10 =	sld [smem:$0x3FAE];
	_ =	sdelay $0x3  }
0x37: {  	[smem:$0x3FAE] =	sst s10  }
0x38: {  	s10 =	sld [smem:$0x3FAF]  }
0x39: {  	_ = 	snop;
	(pc) =	sbr.ind lr, $3  }
0x3a: {  	_ = 	snop  }
0x3b: {  	_ = 	snop  }
0x3c: {  	p2 =	seq.s32 s10, $0x1;
	s10 =	sld [smem:$0x3FAE]  }
0x3d: {  	_ =	shalt  }
0x3e: {  	_ =	shalt  }
0x3f: {  	_ =	shalt  }
0x40: {  	_ =	shalt  }
0x41: {  	_ =	shalt  }
0x42: {  	_ =	shalt  }
0x43: {  	_ =	shalt  }
0x44: {  	_ =	shalt  }
0x45: {  	_ =	shalt  }
0x46: {  	_ =	shalt  }
0x47: {  	_ =	shalt  }
0x48: {  	_ =	shalt  }
0x49: {  	_ =	shalt  }
0x4a: {  	_ =	shalt  }
0x4b: {  	_ =	shalt  }
0x4c: {  	_ =	shalt  }
0x4d: {  	_ =	shalt  }
0x4e: {  	_ =	shalt  }
0x4f: {  	_ =	shalt  }
0x50: {  	_ =	shalt  }
0x51: {  	_ =	shalt  }
0x52: {  	_ =	shalt  }
0x53: {  	_ =	shalt  }
0x54: {  	_ =	shalt  }
0x55: {  	_ =	shalt  }
0x56: {  	_ =	shalt  }
0x57: {  	_ =	shalt  }
0x58: {  	_ =	shalt  }
0x59: {  	_ =	shalt  }
0x5a: {  	_ =	shalt  }
0x5b: {  	_ =	shalt  }
0x5c: {  	_ =	shalt  }
0x5d: {  	_ =	shalt  }
0x5e: {  	_ =	shalt  }
0x5f: {  	_ =	shalt  }
0x60: {  	_ =	shalt  }
0x61: {  	_ =	shalt  }
0x62: {  	_ =	shalt  }
0x63: {  	_ =	shalt  }
0x64: {  	_ =	shalt  }
0x65: {  	_ =	shalt  }
0x66: {  	_ =	shalt  }
0x67: {  	_ =	shalt  }
0x68: {  	_ =	shalt  }
0x69: {  	_ =	shalt  }
0x6a: {  	_ =	shalt  }
0x6b: {  	_ =	shalt  }
0x6c: {  	_ =	shalt  }
0x6d: {  	_ =	shalt  }
0x6e: {  	_ =	shalt  }
0x6f: {  	_ =	shalt  }
0x70: {  	_ =	shalt  }
0x71: {  	_ =	shalt  }
0x72: {  	_ =	shalt  }
0x73: {  	_ =	shalt  }
0x74: {  	_ =	shalt  }
0x75: {  	_ =	shalt  }
0x76: {  	_ =	shalt  }
0x77: {  	_ =	shalt  }
0x78: {  	_ =	shalt  }
0x79: {  	_ =	shalt  }
0x7a: {  	_ =	shalt  }
0x7b: {  	_ =	shalt  }
0x7c: {  	_ =	shalt  }
0x7d: {  	_ =	shalt  }
0x7e: {  	_ =	shalt  }
0x7f: {  	_ =	shalt  }
0x80: {  	_ =	shalt  }
0x81: {  	_ =	shalt  }
0x82: {  	_ =	shalt  }
0x83: {  	_ =	shalt  }
0x84: {  	_ =	shalt  }
0x85: {  	_ =	shalt  }
0x86: {  	_ =	shalt  }
0x87: {  	_ =	shalt  }
.Lfunc_end0:
.L_simem_size_0:
called_computation.3_lowered:
.L_overlay_start_0:
0x88: {  	s2 =	sld [smem:$0x3FD9]  }
0x89: {  	s3 =	sld [smem:$0x3FFE];
	_ =	sdelay $0x1  }
0x8a: {  	s1 =	srdreg.scid  }
0x8b: {  	s0 =	sand.u32 $0x1, s1  }
0x8c: {  	s16 =	sshll.u32 s0, $0xA;
	s2 =	sadd.s32 s3, s2  }
0x8d: {  	s2 =	sadd.s32 s2, s16  }
0x8e: {  	[smem:$0x3FBA] =	sst s2  }
0x8f: {  	_ = 	snop  }
0x90: {  	(tm) =	ssettm $0x1  }
0x91: {  	s17 =	sld [smem:$0x3FFB];
	_ =	sdelay $0x3  }
0x92: {  	_ =	strace s17  }
0x93: {  	s2 =	sld [smem:$0x3FFC];
	_ =	sdelay $0x3  }
0x94: {  	_ =	strace s2  }
0x95: {  	s2 =	sld [smem:$0x3FFD];
	_ =	sdelay $0x3  }
0x96: {  	_ =	strace s2  }
0x97: {  	_ =	strace $0x8FFFFFFF  }
0x98: {  	s18 =	sld [smem:$0x3FDB];
	_ =	sdelay $0x1  }
0x99: {  	s19 =	simm.s32 $_scs_section_size  }
0x9a: {  	s4 =	simm.s32 $_size__tile_overlayer_lowered;
	s5 =	simm.s32 $_tile_overlayer_lowered  }
0x9b: {  	s22 =	simm.s32 $0x1BFF;
	s21 =	sshll.u32 s5, $0x1;
	s2 =	sadd.s32 s19, s18  }
0x9c: {  	s6 =	simm.s32 $0x0;
	s20 =	sshll.u32 s4, $0x1;
	s4 =	sadd.s32 s21, s2  }
0x9d: {  	[timem:s6], [sflag:s22] =	dma.local [hbm:s4], s20  }
0x9e: {  	_ =	swait.ge [sflag:s22], s20  }
0x9f: {  	s3 =	ssub.s32 $0x0, s20;
	[sflag:s22] =	ssyncset.done $0x0  }
0xa0: {  	[sflag:s22] =	ssyncadd.s32 s3;
	_ =	sdelay $0x1  }
0xa1: {  	s23 =	simm.s32 $0x1B8B  }
0xa2: {  	_ =	swait.ge [sflag:s23], $0x1  }
0xa3: {  	[sflag:s23] =	ssyncset.done $0x0  }
0xa4: {  	s25 =	simm.s32 $0x1B8E;
	s24 =	sld [smem:$0x3FFE];
	[sflag:s23] =	ssyncadd.s32 $0xFFFFFFFF  }
0xa5: {  	s26 =	simm.s32 $execute0_lowered;
	[smem:$0x3FD2] =	sst s25  }
0xa6: {  	s4 =	sshll.u32 s26, $0x1;
	_ =	strace $0x8000004F;
	[dreg:$0x1] =	wrdreg $0xFFFFFFFF  }
0xa7: {  	s28 =	simm.s32 $_size_execute0_lowered;
	s2 =	sadd.s32 s2, s4;
	[dreg:$0x0] =	wrdreg $0x0  }
0xa8: {  	s4 =	sshll.u32 s28, $0x1;
	[dreg:$0x2] =	wrdreg s2  }
0xa9: {  	[dreg:$0x3] =	wrdreg s4  }
0xaa: {  	[dreg:$0x4] =	wrdreg $0xC0  }
0xab: {  	_ =	task [dreg:s6], $0x5FFFF  }
0xac: {  	[dreg:$0x1] =	wrdreg $0xFFFFFFFF  }
0xad: {  	[dreg:$0x0] =	wrdreg $0x60  }
0xae: {  	[dreg:$0x2] =	wrdreg s24  }
0xaf: {  	[dreg:$0x3] =	wrdreg $0x41000  }
0xb0: {  	[dreg:$0x4] =	wrdreg $0x9  }
0xb1: {  	_ =	task.clear_ibuf [dreg:s6], $0x5FFFF;
	_ =	strace $0x9000004F  }
0xb2: {  	s29 =	simm.s32 $0x9;
	_ =	strace $0x80000051  }
0xb3: {  	_ =	swait.ge [sflag:s29], $0x1  }
0xb4: {  	[sflag:s29] =	ssyncadd.s32 $0xFFFFFFFF  }
0xb5: {  	_ =	strace $0x90000051  }
0xb6: {  	_ =	sfence  }
0xb7: {  	s30 =	sld [smem:$0x0];
	_ =	sdelay $0x2  }
0xb8: {  	s31 =	sshll.u32 s1, $0xD;
	s1 =	sshrl.u32 s1, $0x2  }
0xb9: {  	s3 =	sand.u32 $0x4000, s31;
	s1 =	sadd.s32 s1, s30  }
0xba: {  	s0 =	sor.u32 s3, s0;
	s1 =	sshll.u32 s1, $0x11  }
0xbb: {  	s0 =	sor.u32 s1, s0  }
0xbc: {  	s0 =	sadd.s32 $0x8F2B, s0  }
0xbd: {  	[sflag:s0] =	ssyncadd.remote.s32 $0x1  }
0xbe: {  	_ =	sfence.sel $0xFFFF  }
0xbf: {  	[dreg:$0x0] =	wrdreg $0xFFFFFFFF;
	(pc) =	sbr.abs _section_cstart, $3  }
0xc0: {  	[dreg:$0x1] =	wrdreg $0xFFFFFFFF  }
0xc1: {  	_ =	task.clear_ibuf [dreg:s6], $0x2FFFF;
	_ =	strace $0x9FFFFFFF  }
0xc2: {  	(tm) =	ssettm $0x7FFFFFFF  }
0xc3: {  	_ =	shalt  }
tec
execute0_lowered:
.L_overlay_start_1:
0x0: {  	(tag) =	ssettag $0x1  }
0x1: {  	s5 =	rddreg [dreg:$0x0];
	s0 =	srdreg.scid  }
0x2: {  	s2 =	rddreg [dreg:$0x1];
	s1 =	stileid.u32;
	s3 =	simm.s32 $0x0  }
0x3: {  	s13 =	simm.s32 $0x2;
	s14 =	simm.s32 $0x80;
	s15 =	simm.s32 $0x100  }
0x4: {  	s16 =	simm.s32 $0x1;
	s17 =	simm.s32 $0x0;
	s6 =	sand.u32 $0x1, s0  }
0x5: {  	s0 =	rddreg [dreg:$0x2];
	s4 =	sshll.u32 s1, $0x8;
	s24 =	smul.u32 $0x13C00, s1  }
0x6: {  	[smem:$0x7FF] =	sst s3;
	s26 =	smul.u32 $0x4F000, s1;
	s31 =	sshll.u32 s1, $0x6  }
0x7: {  	p0 =	slt.u32 s1, $0x2;
	s7 =	sshll.u32 s6, $0x7;
	s9 =	smul.u32 $0x13C000, s6  }
0x8: {  	_ =	strace $0x80000050;
	s6 =	ssub.s32 $0x2, s6;
	s4 =	sor.u32 s7, s4  }
0x9: {  	s25 =	sshrl.u32 s24, $0x3;
	s28 =	sshrl.u32 s6, $0x1;
	s29 =	sshrl.u32 s26, $0x2  }
0xa: {  	s8 =	sshrl.u32 s4, $0x3;
	s4 =	sadd.s32 $0x70A00, s5;
	s7 =	sadd.s32 s24, s9  }
0xb: {  	s30 =	ssub.s32 s6, s28;
	s12 =	sadd.s32 s29, s2;
	s6 =	simm.s32 $0x4F  }
0xc: {  	s11 =	sadd.s32 s8, s5;
	s8 =	sadd.s32 s25, s5;
	s7 =	sshrl.u32 s7, $0x3  }
0xd: {  	s6 =	simm.s32 @!p0 $0x4E;
	s9 =	smax.u32 s30, $0x1;
	s12 =	sshrl.u32 s12, $0x3  }
0xe: {  	s10 =	sadd.s32 s7, s5;
	s5 =	sadd.s32 $0x22000, s8;
	s7 =	sor.u32 $0x1C02, s31  }
0xf: {  	s8 =	sadd.s32 $0x97C00, s10;
	s10 =	sadd.s32 $0xDA00, s11;
	s11 =	sadd.s32 $0x3C00, s11  }
.LBB2_1:
0x10: {  	[spmem:s12], [sflag:s7] =	dma.local [hbm:s5], $0x2780  }
0x11: {  	_ =	swait.ge [sflag:s13], $0x2780  }
0x12: {  	[sflag:s13] =	ssyncset.done $0x0  }
0x13: {  	[sflag:s13] =	ssyncadd.s32 $0xFFFFD880  }
0x14: {  	[bflag:$0x0] =	sbarrier.arrive $0xFFFF  }
0x15: {  	[tilespmem:s3], [sflag:$0x2] =	stream.linear.gather [hbm4b:s11+s3], $0x80, $0x38;
	[tilespmem:$0x17D00] =	vst v63  }
0x16: {  	_ =	swait.ge [sflag:s13], $0x80  }
0x17: {  	[sflag:s13] =	ssyncset.done $0x0  }
0x18: {  	[sflag:s13] =	ssyncadd.s32 $0xFFFFFF80  }
0x19: {  	[tilespmem:s14], [sflag:$0x2] =	stream.linear.gather [hbm4b:s10+s3], $0x80, $0x38;
	[tilespmem:$0x17D00] =	vst v63  }
0x1a: {  	_ =	swait.ge [sflag:s13], $0x80  }
0x1b: {  	[sflag:s13] =	ssyncset.done $0x0  }
0x1c: {  	[sflag:s13] =	ssyncadd.s32 $0xFFFFFF80  }
0x1d: {  	[tilespmem:s15], [sflag:$0x1] =	stream.indirect.gather [hbm4b:s4+s14], $0x80, s3, s14, $0xb8;
	[tilespmem:$0x17D00] =	vst v63  }
0x1e: {  	p0 =	sne.s32 s6, $0x1;
	_ =	swait.ge [sflag:s16], $0x4000  }
.Ltmp0:
0x1f: {  	[sflag:s16] =	ssyncset.done $0x0;
	(pc) =	sbr.rel @!p0 .LBB2_3-.Ltmp0, $4  }
0x20: {  	[sflag:s16] =	ssyncadd.s32 $0xFFFFC000  }
0x21: {  	[spmem:s2] =	stream.indirect.scatter.add.f32 [tilespmem:s15], [sflag:$0x2], $0x80, s14, s14, $0xb8;
	[tilespmem:$0x17D00] =	vst v63  }
0x22: {  	s18 =	sadd.s32 $0xFFFFFFFF, s6;
	_ =	swait.ge [sflag:s13], $0x4000  }
0x23: {  	s19 =	smov.u32 s10;
	s20 =	smov.u32 s11;
	[sflag:s13] =	ssyncset.done $0x0  }
.LBB2_2:
0x24: {  	[sflag:s13] =	ssyncadd.s32 $0xFFFFC000;
	s19 =	sadd.s32 $0x200, s19;
	s20 =	sadd.s32 $0x200, s20  }
0x25: {  	[tilespmem:s3], [sflag:$0x2] =	stream.linear.gather [hbm4b:s20+s3], $0x80, $0x38;
	[tilespmem:$0x17D00] =	vst v63  }
0x26: {  	p0 =	sne.s32 s18, $0x1;
	s18 =	sadd.s32 $0xFFFFFFFF, s18;
	_ =	swait.ge [sflag:s13], $0x80  }
0x27: {  	[sflag:s13] =	ssyncset.done $0x0  }
0x28: {  	[sflag:s13] =	ssyncadd.s32 $0xFFFFFF80  }
0x29: {  	[tilespmem:s14], [sflag:$0x2] =	stream.linear.gather [hbm4b:s19+s3], $0x80, $0x38;
	[tilespmem:$0x17D00] =	vst v63  }
0x2a: {  	_ =	swait.ge [sflag:s13], $0x80  }
0x2b: {  	[sflag:s13] =	ssyncset.done $0x0  }
0x2c: {  	[sflag:s13] =	ssyncadd.s32 $0xFFFFFF80  }
0x2d: {  	[tilespmem:s15], [sflag:$0x1] =	stream.indirect.gather [hbm4b:s4+s14], $0x80, s3, s14, $0xb8;
	[tilespmem:$0x17D00] =	vst v63  }
0x2e: {  	_ =	swait.ge [sflag:s16], $0x4000  }
.Ltmp1:
0x2f: {  	[sflag:s16] =	ssyncset.done $0x0;
	(pc) =	sbr.rel @p0 .LBB2_2-.Ltmp1, $4  }
0x30: {  	[sflag:s16] =	ssyncadd.s32 $0xFFFFC000  }
0x31: {  	[spmem:s2] =	stream.indirect.scatter.add.f32 [tilespmem:s15], [sflag:$0x2], $0x80, s14, s14, $0xb8;
	[tilespmem:$0x17D00] =	vst v63  }
0x32: {  	_ =	swait.ge [sflag:s13], $0x4000  }
0x33: {  	[sflag:s13] =	ssyncset.done $0x0  }
.LBB2_3:
0x34: {  	s17 =	sadd.s32 $0x1, s17  }
0x35: {  	[sflag:s13] =	ssyncadd.s32 $0xFFFFC000;
	p0 =	sne.s32 s17, s9  }
.Ltmp2:
0x36: {  	[bflag:$0x0] =	sbarrier.arrive $0xFFFF;
	(pc) =	sbr.rel @p0 .LBB2_1-.Ltmp2, $4  }
0x37: {  	[hbm:s8], [sflag:s7] =	dma.local [spmem:s12], $0x2780  }
0x38: {  	_ =	swait.ge [sflag:s13], $0x2780  }
0x39: {  	[sflag:s13] =	ssyncset.done $0x0  }
0x3a: {  	[sflag:s13] =	ssyncadd.s32 $0xFFFFD880  }
0x3b: {  	_ =	sfence.sel $0x180000  }
0x3c: {  	[bflag:$0x0] =	sbarrier.arrive $0xFFFF  }
0x3d: {  	p0 =	sne.s32 s1, $0x0;
	_ =	strace $0x90000050  }
0x3e: {  	s0 =	sadd.s32 @!p0 $0x100000, s0;
	[bflag:$0x2] =	sbarrier.arrive $0xFFFF  }
0x3f: {  	[sflag:s0] =	ssyncadd.tile.s32 @!p0 $0x1;
	_ =	shalt  }
.Lfunc_end2:
_tile_overlayer_lowered:
.L_overlay_start_2:
0x40: {  	(tag) =	ssettag $0x2  }
0x41: {  	s0 =	rddreg [dreg:$0x0];
	s2 =	stileid.u32  }
0x42: {  	s1 =	rddreg [dreg:$0x1];
	p0 =	sne.s32 s2, $0x0  }
0x43: {  	s3 =	rddreg [dreg:$0x2];
	[bflag:$0x3] =	sbarrier.arrive $0xFFFF;
	s2 =	simm.s32 @!p0 $0x1C02  }
0x44: {  	[timem:s3], [sflag:s2] =	dma.local @!p0 [hbm:s0], s1  }
0x45: {  	s0 =	simm.s32 @!p0 $0x2  }
0x46: {  	_ =	swait.ge @!p0 [sflag:s0], s1  }
0x47: {  	s1 =	ssub.s32 @!p0 $0x0, s1;
	[sflag:s0] =	ssyncset.done @!p0 $0x0  }
0x48: {  	[sflag:s0] =	ssyncadd.s32 @!p0 s1  }
0x49: {  	[bflag:$0x3] =	sbarrier.arrive $0xFFFF  }
0x4a: {  	_ =	shalt  }

// kernel: kernel.24.cloned.1.call-start
scs
__scs_entry_jumppad:
0x0: {  	(pc) =	sbr.rel $0x88, $3  }
0x1: {  	(tag) =	ssettag $0x0;
	lr =	simm.s32 $0x1  }
0x2: {  	[smem:$0x3F93] =	sst lr;
	_ =	strace $0xD0000000  }
0x3: {  	_ = 	snop  }
0x4: {  	_ = 	snop  }
0x5: {  	_ = 	snop  }
0x6: {  	_ = 	snop  }
0x7: {  	_ = 	snop  }
__scs_overlays_trampoline_lowered:
0x8: {  	[smem:$0x3FA2] =	sst s0  }
0x9: {  	[smem:$0x3FA3] =	sst s1  }
0xa: {  	[smem:$0x3FA4] =	sst s2  }
0xb: {  	[smem:$0x3FA5] =	sst s3  }
0xc: {  	[smem:$0x3FA6] =	sst s4  }
0xd: {  	[smem:$0x3FA7] =	sst s5  }
0xe: {  	[smem:$0x3FA8] =	sst s6  }
0xf: {  	[smem:$0x3FA9] =	sst s7  }
0x10: {  	[smem:$0x3FAA] =	sst s8  }
0x11: {  	[smem:$0x3FAB] =	sst s9;
	s0 =	simm.s32 @!p0 $0x0  }
0x12: {  	s1 =	sld [smem:$0x3F91];
	s0 =	simm.s32 @p0 $0x1  }
0x13: {  	[smem:$0x3FAC] =	sst s0;
	s0 =	simm.s32 @!p1 $0x0  }
0x14: {  	s2 =	sld [smem:$0x3F90];
	s0 =	simm.s32 @p1 $0x1  }
0x15: {  	[smem:$0x3FAD] =	sst s0;
	s0 =	simm.s32 @!p2 $0x0  }
0x16: {  	s3 =	sld [smem:$0x3FDB];
	s0 =	simm.s32 @p2 $0x1  }
0x17: {  	s4 =	simm.s32 $0x1BF5;
	[smem:$0x3FAF] =	sst s0  }
0x18: {  	s0 =	sld [smem:$0x3F92];
	_ =	swait.ge [sflag:s4], $0x0  }
0x19: {  	s7 =	sld [smem:$0x3F93]  }
0x1a: {  	s8 =	sadd.s32 $0xFFFFE003, lr  }
0x1b: {  	s9 =	sadd.s32 $0xFFFFFEF7, lr;
	s5 =	simm.s32 $0xFFFFFFFF;
	p2 =	slt.u32 s8, $0xFFFFF086  }
0x1c: {  	p1 =	slt.u32 s9, $0xF7A;
	s5 =	simm.s32 @!p2 $0x0  }
0x1d: {  	s5 =	simm.s32 @p1 $0x1;
	p0 =	seq.s32 s7, s2  }
0x1e: {  	s7 =	smul.u32 @!p0 $0xF7A, s2;
	p2 =	seq.s32 @!p0 s5, $0x0  }
0x1f: {  	s9 =	smul.u32 $0xF7A, s1;
	s8 =	simm.s32 @!p0 $0x1BF5;
	p2 =	por !p2, p0  }
0x20: {  	[sflag:s8] =	ssyncset.s32 @!p0 $0xFFFFF086;
	s6 =	sadd.s32 @!p0 s3, s7;
	s7 =	simm.s32 @!p0 $0x108  }
0x21: {  	s3 =	sadd.s32 s3, s9;
	s6 =	sadd.s32 @!p0 $0x88, s6;
	s7 =	simm.s32 @p2 $0x1082  }
0x22: {  	[simem:s7], [sflag:s8] =	dma.local @!p0 [hbm:s6], $0xF7A  }
0x23: {  	s9 =	sor.u32 $0xD0000000, s2;
	s6 =	simm.s32 $0x108;
	_ =	swait.ge @!p0 [sflag:s8], $0x0  }
0x24: {  	s3 =	sadd.s32 $0x88, s3;
	s6 =	simm.s32 @!p1 $0x1082;
	[sflag:s4] =	ssyncset.s32 $0xFFFFF086  }
0x25: {  	[simem:s6], [sflag:s4] =	dma.local [hbm:s3], $0xF7A  }
0x26: {  	[smem:$0x3F93] =	sst s1;
	(tag) =	ssettag s2;
	_ =	strace s9  }
0x27: {  	s1 =	sld [smem:$0x3FA3]  }
0x28: {  	s2 =	sld [smem:$0x3FA4]  }
0x29: {  	s4 =	sld [smem:$0x3FA6]  }
0x2a: {  	p0 =	seq.s32 s5, $0x0;
	s5 =	sld [smem:$0x3FA7]  }
0x2b: {  	s6 =	sld [smem:$0x3FA8]  }
0x2c: {  	s7 =	sld [smem:$0x3FA9]  }
0x2d: {  	s3 =	simm.s32 $0x108;
	s8 =	sld [smem:$0x3FAA]  }
0x2e: {  	s3 =	simm.s32 @!p0 $0x1082;
	s9 =	sld [smem:$0x3FAB]  }
0x2f: {  	lr =	sadd.s32 s0, s3;
	s0 =	sld [smem:$0x3FA2]  }
0x30: {  	s3 =	sld [smem:$0x3FA5]  }
0x31: {  	[smem:$0x3FAE] =	sst s10  }
0x32: {  	s10 =	sld [smem:$0x3FAC];
	_ =	sdelay $0x3  }
0x33: {  	p0 =	seq.s32 s10, $0x1;
	s10 =	sld [smem:$0x3FAE];
	_ =	sdelay $0x3  }
0x34: {  	[smem:$0x3FAE] =	sst s10  }
0x35: {  	s10 =	sld [smem:$0x3FAD];
	_ =	sdelay $0x3  }
0x36: {  	p1 =	seq.s32 s10, $0x1;
	s10 =	sld [smem:$0x3FAE];
	_ =	sdelay $0x3  }
0x37: {  	[smem:$0x3FAE] =	sst s10  }
0x38: {  	s10 =	sld [smem:$0x3FAF]  }
0x39: {  	_ = 	snop;
	(pc) =	sbr.ind lr, $3  }
0x3a: {  	_ = 	snop  }
0x3b: {  	_ = 	snop  }
0x3c: {  	p2 =	seq.s32 s10, $0x1;
	s10 =	sld [smem:$0x3FAE]  }
0x3d: {  	_ =	shalt  }
0x3e: {  	_ =	shalt  }
0x3f: {  	_ =	shalt  }
0x40: {  	_ =	shalt  }
0x41: {  	_ =	shalt  }
0x42: {  	_ =	shalt  }
0x43: {  	_ =	shalt  }
0x44: {  	_ =	shalt  }
0x45: {  	_ =	shalt  }
0x46: {  	_ =	shalt  }
0x47: {  	_ =	shalt  }
0x48: {  	_ =	shalt  }
0x49: {  	_ =	shalt  }
0x4a: {  	_ =	shalt  }
0x4b: {  	_ =	shalt  }
0x4c: {  	_ =	shalt  }
0x4d: {  	_ =	shalt  }
0x4e: {  	_ =	shalt  }
0x4f: {  	_ =	shalt  }
0x50: {  	_ =	shalt  }
0x51: {  	_ =	shalt  }
0x52: {  	_ =	shalt  }
0x53: {  	_ =	shalt  }
0x54: {  	_ =	shalt  }
0x55: {  	_ =	shalt  }
0x56: {  	_ =	shalt  }
0x57: {  	_ =	shalt  }
0x58: {  	_ =	shalt  }
0x59: {  	_ =	shalt  }
0x5a: {  	_ =	shalt  }
0x5b: {  	_ =	shalt  }
0x5c: {  	_ =	shalt  }
0x5d: {  	_ =	shalt  }
0x5e: {  	_ =	shalt  }
0x5f: {  	_ =	shalt  }
0x60: {  	_ =	shalt  }
0x61: {  	_ =	shalt  }
0x62: {  	_ =	shalt  }
0x63: {  	_ =	shalt  }
0x64: {  	_ =	shalt  }
0x65: {  	_ =	shalt  }
0x66: {  	_ =	shalt  }
0x67: {  	_ =	shalt  }
0x68: {  	_ =	shalt  }
0x69: {  	_ =	shalt  }
0x6a: {  	_ =	shalt  }
0x6b: {  	_ =	shalt  }
0x6c: {  	_ =	shalt  }
0x6d: {  	_ =	shalt  }
0x6e: {  	_ =	shalt  }
0x6f: {  	_ =	shalt  }
0x70: {  	_ =	shalt  }
0x71: {  	_ =	shalt  }
0x72: {  	_ =	shalt  }
0x73: {  	_ =	shalt  }
0x74: {  	_ =	shalt  }
0x75: {  	_ =	shalt  }
0x76: {  	_ =	shalt  }
0x77: {  	_ =	shalt  }
0x78: {  	_ =	shalt  }
0x79: {  	_ =	shalt  }
0x7a: {  	_ =	shalt  }
0x7b: {  	_ =	shalt  }
0x7c: {  	_ =	shalt  }
0x7d: {  	_ =	shalt  }
0x7e: {  	_ =	shalt  }
0x7f: {  	_ =	shalt  }
0x80: {  	_ =	shalt  }
0x81: {  	_ =	shalt  }
0x82: {  	_ =	shalt  }
0x83: {  	_ =	shalt  }
0x84: {  	_ =	shalt  }
0x85: {  	_ =	shalt  }
0x86: {  	_ =	shalt  }
0x87: {  	_ =	shalt  }
.Lfunc_end0:
.L_simem_size_0:
called_computation.4_lowered:
.L_overlay_start_0:
0x88: {  	s2 =	sld [smem:$0x3FD9]  }
0x89: {  	s3 =	sld [smem:$0x3FFE];
	_ =	sdelay $0x1  }
0x8a: {  	s1 =	srdreg.scid  }
0x8b: {  	s0 =	sand.u32 $0x1, s1  }
0x8c: {  	s16 =	sshll.u32 s0, $0xA;
	s2 =	sadd.s32 s3, s2  }
0x8d: {  	s2 =	sadd.s32 s2, s16  }
0x8e: {  	[smem:$0x3FBA] =	sst s2  }
0x8f: {  	_ = 	snop  }
0x90: {  	(tm) =	ssettm $0x1  }
0x91: {  	s17 =	sld [smem:$0x3FFB];
	_ =	sdelay $0x3  }
0x92: {  	_ =	strace s17  }
0x93: {  	s2 =	sld [smem:$0x3FFC];
	_ =	sdelay $0x3  }
0x94: {  	_ =	strace s2  }
0x95: {  	s2 =	sld [smem:$0x3FFD];
	_ =	sdelay $0x3  }
0x96: {  	_ =	strace s2  }
0x97: {  	_ =	strace $0x8FFFFFFF  }
0x98: {  	s18 =	sld [smem:$0x3FDB];
	_ =	sdelay $0x1  }
0x99: {  	s19 =	simm.s32 $_scs_section_size  }
0x9a: {  	s4 =	simm.s32 $_size__tile_overlayer_lowered;
	s5 =	simm.s32 $_tile_overlayer_lowered  }
0x9b: {  	s22 =	simm.s32 $0x1BFF;
	s21 =	sshll.u32 s5, $0x1;
	s2 =	sadd.s32 s19, s18  }
0x9c: {  	s6 =	simm.s32 $0x0;
	s20 =	sshll.u32 s4, $0x1;
	s4 =	sadd.s32 s21, s2  }
0x9d: {  	[timem:s6], [sflag:s22] =	dma.local [hbm:s4], s20  }
0x9e: {  	_ =	swait.ge [sflag:s22], s20  }
0x9f: {  	s3 =	ssub.s32 $0x0, s20;
	[sflag:s22] =	ssyncset.done $0x0  }
0xa0: {  	[sflag:s22] =	ssyncadd.s32 s3;
	_ =	sdelay $0x1  }
0xa1: {  	s23 =	simm.s32 $0x1B8B  }
0xa2: {  	_ =	swait.ge [sflag:s23], $0x1  }
0xa3: {  	[sflag:s23] =	ssyncset.done $0x0  }
0xa4: {  	s25 =	simm.s32 $0x1B8E;
	s24 =	sld [smem:$0x3FFE];
	[sflag:s23] =	ssyncadd.s32 $0xFFFFFFFF  }
0xa5: {  	s26 =	simm.s32 $execute0_lowered;
	[smem:$0x3FD2] =	sst s25  }
0xa6: {  	s4 =	sshll.u32 s26, $0x1;
	_ =	strace $0x80000052;
	[dreg:$0x1] =	wrdreg $0xFFFFFFFF  }
0xa7: {  	s28 =	simm.s32 $_size_execute0_lowered;
	s2 =	sadd.s32 s2, s4;
	[dreg:$0x0] =	wrdreg $0x0  }
0xa8: {  	s4 =	sshll.u32 s28, $0x1;
	[dreg:$0x2] =	wrdreg s2  }
0xa9: {  	[dreg:$0x3] =	wrdreg s4  }
0xaa: {  	[dreg:$0x4] =	wrdreg $0xC0  }
0xab: {  	_ =	task [dreg:s6], $0x5FFFF  }
0xac: {  	[dreg:$0x1] =	wrdreg $0xFFFFFFFF  }
0xad: {  	[dreg:$0x0] =	wrdreg $0x60  }
0xae: {  	[dreg:$0x2] =	wrdreg s24  }
0xaf: {  	[dreg:$0x3] =	wrdreg $0x41000  }
0xb0: {  	[dreg:$0x4] =	wrdreg $0x9  }
0xb1: {  	_ =	task.clear_ibuf [dreg:s6], $0x5FFFF;
	_ =	strace $0x90000052  }
0xb2: {  	s29 =	simm.s32 $0x9;
	_ =	strace $0x80000054  }
0xb3: {  	_ =	swait.ge [sflag:s29], $0x1  }
0xb4: {  	[sflag:s29] =	ssyncadd.s32 $0xFFFFFFFF  }
0xb5: {  	_ =	strace $0x90000054  }
0xb6: {  	_ =	sfence  }
0xb7: {  	s30 =	sld [smem:$0x0];
	_ =	sdelay $0x2  }
0xb8: {  	s31 =	sshll.u32 s1, $0xD;
	s1 =	sshrl.u32 s1, $0x2  }
0xb9: {  	s3 =	sand.u32 $0x4000, s31;
	s1 =	sadd.s32 s1, s30  }
0xba: {  	s0 =	sor.u32 s3, s0;
	s1 =	sshll.u32 s1, $0x11  }
0xbb: {  	s0 =	sor.u32 s1, s0  }
0xbc: {  	s0 =	sadd.s32 $0x8F2B, s0  }
0xbd: {  	[sflag:s0] =	ssyncadd.remote.s32 $0x1  }
0xbe: {  	_ =	sfence.sel $0xFFFF  }
0xbf: {  	[dreg:$0x0] =	wrdreg $0xFFFFFFFF;
	(pc) =	sbr.abs _section_cstart, $3  }
0xc0: {  	[dreg:$0x1] =	wrdreg $0xFFFFFFFF  }
0xc1: {  	_ =	task.clear_ibuf [dreg:s6], $0x2FFFF;
	_ =	strace $0x9FFFFFFF  }
0xc2: {  	(tm) =	ssettm $0x7FFFFFFF  }
0xc3: {  	_ =	shalt  }
tec
execute0_lowered:
.L_overlay_start_1:
0x0: {  	(tag) =	ssettag $0x1  }
0x1: {  	s5 =	rddreg [dreg:$0x0]  }
0x2: {  	s2 =	rddreg [dreg:$0x1]  }
0x3: {  	s0 =	rddreg [dreg:$0x2]  }
0x4: {  	s4 =	srdreg.scid;
	s3 =	simm.s32 $0x0;
	s1 =	stileid.u32  }
0x5: {  	s14 =	simm.s32 $0x80;
	s15 =	simm.s32 $0x100;
	s16 =	simm.s32 $0x1  }
0x6: {  	s17 =	simm.s32 $0x0;
	s6 =	sand.u32 $0x1, s4;
	[smem:$0x7FF] =	sst s3  }
0x7: {  	s23 =	sshll.u32 s1, $0x8;
	s4 =	sadd.s32 $0x22000, s5;
	s8 =	sshll.u32 s1, $0x7  }
0x8: {  	s9 =	sshll.u32 s1, $0x1;
	s10 =	sshll.u32 s1, $0xA;
	s29 =	sshll.u32 s1, $0x6  }
0x9: {  	s7 =	sshll.u32 s6, $0x7;
	_ =	strace $0x80000053;
	s24 =	sadd.s32 s8, s5  }
0xa: {  	s25 =	ssub.s32 $0x2, s6;
	s28 =	sor.u32 s6, s9;
	s13 =	sadd.s32 s10, s2  }
0xb: {  	s30 =	sshll.u32 s6, $0xB;
	s6 =	simm.s32 $0x3;
	s7 =	sor.u32 s7, s23  }
0xc: {  	s26 =	sshrl.u32 s25, $0x1;
	p0 =	slt.u32 s28, $0xF;
	s31 =	sadd.s32 s30, s24  }
0xd: {  	s7 =	sshrl.u32 s7, $0x3;
	s12 =	ssub.s32 s25, s26;
	s6 =	simm.s32 @!p0 $0x2  }
0xe: {  	s8 =	sadd.s32 $0x18C00, s31;
	s11 =	sadd.s32 s7, s5;
	s5 =	sadd.s32 $0x17E00, s24  }
0xf: {  	s7 =	sor.u32 $0x1C02, s29;
	s9 =	smax.u32 s12, $0x1;
	s12 =	sshrl.u32 s13, $0x3  }
0x10: {  	s13 =	simm.s32 $0x2;
	s10 =	sadd.s32 $0x17800, s11;
	s11 =	sadd.s32 $0x18600, s11  }
.LBB2_1:
0x11: {  	[spmem:s12], [sflag:s7] =	dma.local [hbm:s5], $0x80  }
0x12: {  	_ =	swait.ge [sflag:s13], $0x80  }
0x13: {  	[sflag:s13] =	ssyncset.done $0x0  }
0x14: {  	[sflag:s13] =	ssyncadd.s32 $0xFFFFFF80  }
0x15: {  	[bflag:$0x0] =	sbarrier.arrive $0xFFFF  }
0x16: {  	[tilespmem:s3], [sflag:$0x2] =	stream.linear.gather [hbm4b:s11+s3], $0x80, $0x38;
	[tilespmem:$0x4500] =	vst v63  }
0x17: {  	_ =	swait.ge [sflag:s13], $0x80  }
0x18: {  	[sflag:s13] =	ssyncset.done $0x0  }
0x19: {  	[sflag:s13] =	ssyncadd.s32 $0xFFFFFF80  }
0x1a: {  	[tilespmem:s14], [sflag:$0x2] =	stream.linear.gather [hbm4b:s10+s3], $0x80, $0x38;
	[tilespmem:$0x4500] =	vst v63  }
0x1b: {  	_ =	swait.ge [sflag:s13], $0x80  }
0x1c: {  	[sflag:s13] =	ssyncset.done $0x0  }
0x1d: {  	[sflag:s13] =	ssyncadd.s32 $0xFFFFFF80  }
0x1e: {  	[tilespmem:s15], [sflag:$0x1] =	stream.indirect.gather [hbm4b:s4+s14], $0x80, s3, s14, $0xb8;
	[tilespmem:$0x4500] =	vst v63  }
0x1f: {  	p0 =	sne.s32 s6, $0x1;
	_ =	swait.ge [sflag:s16], $0x4000  }
.Ltmp0:
0x20: {  	[sflag:s16] =	ssyncset.done $0x0;
	(pc) =	sbr.rel @!p0 .LBB2_3-.Ltmp0, $4  }
0x21: {  	[sflag:s16] =	ssyncadd.s32 $0xFFFFC000  }
0x22: {  	[spmem:s2] =	stream.indirect.scatter.add.f32 [tilespmem:s15], [sflag:$0x2], $0x80, s14, s14, $0xb8;
	[tilespmem:$0x4500] =	vst v63  }
0x23: {  	s18 =	sadd.s32 $0xFFFFFFFF, s6;
	_ =	swait.ge [sflag:s13], $0x4000  }
0x24: {  	s19 =	smov.u32 s10;
	s20 =	smov.u32 s11;
	[sflag:s13] =	ssyncset.done $0x0  }
.LBB2_2:
0x25: {  	[sflag:s13] =	ssyncadd.s32 $0xFFFFC000;
	s19 =	sadd.s32 $0x200, s19;
	s20 =	sadd.s32 $0x200, s20  }
0x26: {  	[tilespmem:s3], [sflag:$0x2] =	stream.linear.gather [hbm4b:s20+s3], $0x80, $0x38;
	[tilespmem:$0x4500] =	vst v63  }
0x27: {  	p0 =	sne.s32 s18, $0x1;
	s18 =	sadd.s32 $0xFFFFFFFF, s18;
	_ =	swait.ge [sflag:s13], $0x80  }
0x28: {  	[sflag:s13] =	ssyncset.done $0x0  }
0x29: {  	[sflag:s13] =	ssyncadd.s32 $0xFFFFFF80  }
0x2a: {  	[tilespmem:s14], [sflag:$0x2] =	stream.linear.gather [hbm4b:s19+s3], $0x80, $0x38;
	[tilespmem:$0x4500] =	vst v63  }
0x2b: {  	_ =	swait.ge [sflag:s13], $0x80  }
0x2c: {  	[sflag:s13] =	ssyncset.done $0x0  }
0x2d: {  	[sflag:s13] =	ssyncadd.s32 $0xFFFFFF80  }
0x2e: {  	[tilespmem:s15], [sflag:$0x1] =	stream.indirect.gather [hbm4b:s4+s14], $0x80, s3, s14, $0xb8;
	[tilespmem:$0x4500] =	vst v63  }
0x2f: {  	_ =	swait.ge [sflag:s16], $0x4000  }
.Ltmp1:
0x30: {  	[sflag:s16] =	ssyncset.done $0x0;
	(pc) =	sbr.rel @p0 .LBB2_2-.Ltmp1, $4  }
0x31: {  	[sflag:s16] =	ssyncadd.s32 $0xFFFFC000  }
0x32: {  	[spmem:s2] =	stream.indirect.scatter.add.f32 [tilespmem:s15], [sflag:$0x2], $0x80, s14, s14, $0xb8;
	[tilespmem:$0x4500] =	vst v63  }
0x33: {  	_ =	swait.ge [sflag:s13], $0x4000  }
0x34: {  	[sflag:s13] =	ssyncset.done $0x0  }
.LBB2_3:
0x35: {  	s17 =	sadd.s32 $0x1, s17  }
0x36: {  	[sflag:s13] =	ssyncadd.s32 $0xFFFFC000;
	p0 =	sne.s32 s17, s9  }
.Ltmp2:
0x37: {  	[bflag:$0x0] =	sbarrier.arrive $0xFFFF;
	(pc) =	sbr.rel @p0 .LBB2_1-.Ltmp2, $4  }
0x38: {  	[hbm:s8], [sflag:s7] =	dma.local [spmem:s12], $0x80  }
0x39: {  	_ =	swait.ge [sflag:s13], $0x80  }
0x3a: {  	[sflag:s13] =	ssyncset.done $0x0  }
0x3b: {  	[sflag:s13] =	ssyncadd.s32 $0xFFFFFF80  }
0x3c: {  	_ =	sfence.sel $0x180000  }
0x3d: {  	[bflag:$0x0] =	sbarrier.arrive $0xFFFF  }
0x3e: {  	p0 =	sne.s32 s1, $0x0;
	_ =	strace $0x90000053  }
0x3f: {  	s0 =	sadd.s32 @!p0 $0x100000, s0;
	[bflag:$0x2] =	sbarrier.arrive $0xFFFF  }
0x40: {  	[sflag:s0] =	ssyncadd.tile.s32 @!p0 $0x1;
	_ =	shalt  }
.Lfunc_end2:
_tile_overlayer_lowered:
.L_overlay_start_2:
0x41: {  	(tag) =	ssettag $0x2  }
0x42: {  	s0 =	rddreg [dreg:$0x0];
	s2 =	stileid.u32  }
0x43: {  	s1 =	rddreg [dreg:$0x1];
	p0 =	sne.s32 s2, $0x0  }
0x44: {  	s3 =	rddreg [dreg:$0x2];
	[bflag:$0x3] =	sbarrier.arrive $0xFFFF;
	s2 =	simm.s32 @!p0 $0x1C02  }
0x45: {  	[timem:s3], [sflag:s2] =	dma.local @!p0 [hbm:s0], s1  }
0x46: {  	s0 =	simm.s32 @!p0 $0x2  }
0x47: {  	_ =	swait.ge @!p0 [sflag:s0], s1  }
0x48: {  	s1 =	ssub.s32 @!p0 $0x0, s1;
	[sflag:s0] =	ssyncset.done @!p0 $0x0  }
0x49: {  	[sflag:s0] =	ssyncadd.s32 @!p0 s1  }
0x4a: {  	[bflag:$0x3] =	sbarrier.arrive $0xFFFF  }
0x4b: {  	_ =	shalt  }

// kernel: kernel.27.cloned.1.call-start
scs
__scs_entry_jumppad:
0x0: {  	(pc) =	sbr.rel $0x88, $3  }
0x1: {  	(tag) =	ssettag $0x0;
	lr =	simm.s32 $0x1  }
0x2: {  	[smem:$0x3F93] =	sst lr;
	_ =	strace $0xD0000000  }
0x3: {  	_ = 	snop  }
0x4: {  	_ = 	snop  }
0x5: {  	_ = 	snop  }
0x6: {  	_ = 	snop  }
0x7: {  	_ = 	snop  }
__scs_overlays_trampoline_lowered:
0x8: {  	[smem:$0x3FA2] =	sst s0  }
0x9: {  	[smem:$0x3FA3] =	sst s1  }
0xa: {  	[smem:$0x3FA4] =	sst s2  }
0xb: {  	[smem:$0x3FA5] =	sst s3  }
0xc: {  	[smem:$0x3FA6] =	sst s4  }
0xd: {  	[smem:$0x3FA7] =	sst s5  }
0xe: {  	[smem:$0x3FA8] =	sst s6  }
0xf: {  	[smem:$0x3FA9] =	sst s7  }
0x10: {  	[smem:$0x3FAA] =	sst s8  }
0x11: {  	[smem:$0x3FAB] =	sst s9;
	s0 =	simm.s32 @!p0 $0x0  }
0x12: {  	s1 =	sld [smem:$0x3F91];
	s0 =	simm.s32 @p0 $0x1  }
0x13: {  	[smem:$0x3FAC] =	sst s0;
	s0 =	simm.s32 @!p1 $0x0  }
0x14: {  	s2 =	sld [smem:$0x3F90];
	s0 =	simm.s32 @p1 $0x1  }
0x15: {  	[smem:$0x3FAD] =	sst s0;
	s0 =	simm.s32 @!p2 $0x0  }
0x16: {  	s3 =	sld [smem:$0x3FDB];
	s0 =	simm.s32 @p2 $0x1  }
0x17: {  	s4 =	simm.s32 $0x1BF5;
	[smem:$0x3FAF] =	sst s0  }
0x18: {  	s0 =	sld [smem:$0x3F92];
	_ =	swait.ge [sflag:s4], $0x0  }
0x19: {  	s7 =	sld [smem:$0x3F93]  }
0x1a: {  	s8 =	sadd.s32 $0xFFFFE003, lr  }
0x1b: {  	s9 =	sadd.s32 $0xFFFFFEF7, lr;
	s5 =	simm.s32 $0xFFFFFFFF;
	p2 =	slt.u32 s8, $0xFFFFF086  }
0x1c: {  	p1 =	slt.u32 s9, $0xF7A;
	s5 =	simm.s32 @!p2 $0x0  }
0x1d: {  	s5 =	simm.s32 @p1 $0x1;
	p0 =	seq.s32 s7, s2  }
0x1e: {  	s7 =	smul.u32 @!p0 $0xF7A, s2;
	p2 =	seq.s32 @!p0 s5, $0x0  }
0x1f: {  	s9 =	smul.u32 $0xF7A, s1;
	s8 =	simm.s32 @!p0 $0x1BF5;
	p2 =	por !p2, p0  }
0x20: {  	[sflag:s8] =	ssyncset.s32 @!p0 $0xFFFFF086;
	s6 =	sadd.s32 @!p0 s3, s7;
	s7 =	simm.s32 @!p0 $0x108  }
0x21: {  	s3 =	sadd.s32 s3, s9;
	s6 =	sadd.s32 @!p0 $0x88, s6;
	s7 =	simm.s32 @p2 $0x1082  }
0x22: {  	[simem:s7], [sflag:s8] =	dma.local @!p0 [hbm:s6], $0xF7A  }
0x23: {  	s9 =	sor.u32 $0xD0000000, s2;
	s6 =	simm.s32 $0x108;
	_ =	swait.ge @!p0 [sflag:s8], $0x0  }
0x24: {  	s3 =	sadd.s32 $0x88, s3;
	s6 =	simm.s32 @!p1 $0x1082;
	[sflag:s4] =	ssyncset.s32 $0xFFFFF086  }
0x25: {  	[simem:s6], [sflag:s4] =	dma.local [hbm:s3], $0xF7A  }
0x26: {  	[smem:$0x3F93] =	sst s1;
	(tag) =	ssettag s2;
	_ =	strace s9  }
0x27: {  	s1 =	sld [smem:$0x3FA3]  }
0x28: {  	s2 =	sld [smem:$0x3FA4]  }
0x29: {  	s4 =	sld [smem:$0x3FA6]  }
0x2a: {  	p0 =	seq.s32 s5, $0x0;
	s5 =	sld [smem:$0x3FA7]  }
0x2b: {  	s6 =	sld [smem:$0x3FA8]  }
0x2c: {  	s7 =	sld [smem:$0x3FA9]  }
0x2d: {  	s3 =	simm.s32 $0x108;
	s8 =	sld [smem:$0x3FAA]  }
0x2e: {  	s3 =	simm.s32 @!p0 $0x1082;
	s9 =	sld [smem:$0x3FAB]  }
0x2f: {  	lr =	sadd.s32 s0, s3;
	s0 =	sld [smem:$0x3FA2]  }
0x30: {  	s3 =	sld [smem:$0x3FA5]  }
0x31: {  	[smem:$0x3FAE] =	sst s10  }
0x32: {  	s10 =	sld [smem:$0x3FAC];
	_ =	sdelay $0x3  }
0x33: {  	p0 =	seq.s32 s10, $0x1;
	s10 =	sld [smem:$0x3FAE];
	_ =	sdelay $0x3  }
0x34: {  	[smem:$0x3FAE] =	sst s10  }
0x35: {  	s10 =	sld [smem:$0x3FAD];
	_ =	sdelay $0x3  }
0x36: {  	p1 =	seq.s32 s10, $0x1;
	s10 =	sld [smem:$0x3FAE];
	_ =	sdelay $0x3  }
0x37: {  	[smem:$0x3FAE] =	sst s10  }
0x38: {  	s10 =	sld [smem:$0x3FAF]  }
0x39: {  	_ = 	snop;
	(pc) =	sbr.ind lr, $3  }
0x3a: {  	_ = 	snop  }
0x3b: {  	_ = 	snop  }
0x3c: {  	p2 =	seq.s32 s10, $0x1;
	s10 =	sld [smem:$0x3FAE]  }
0x3d: {  	_ =	shalt  }
0x3e: {  	_ =	shalt  }
0x3f: {  	_ =	shalt  }
0x40: {  	_ =	shalt  }
0x41: {  	_ =	shalt  }
0x42: {  	_ =	shalt  }
0x43: {  	_ =	shalt  }
0x44: {  	_ =	shalt  }
0x45: {  	_ =	shalt  }
0x46: {  	_ =	shalt  }
0x47: {  	_ =	shalt  }
0x48: {  	_ =	shalt  }
0x49: {  	_ =	shalt  }
0x4a: {  	_ =	shalt  }
0x4b: {  	_ =	shalt  }
0x4c: {  	_ =	shalt  }
0x4d: {  	_ =	shalt  }
0x4e: {  	_ =	shalt  }
0x4f: {  	_ =	shalt  }
0x50: {  	_ =	shalt  }
0x51: {  	_ =	shalt  }
0x52: {  	_ =	shalt  }
0x53: {  	_ =	shalt  }
0x54: {  	_ =	shalt  }
0x55: {  	_ =	shalt  }
0x56: {  	_ =	shalt  }
0x57: {  	_ =	shalt  }
0x58: {  	_ =	shalt  }
0x59: {  	_ =	shalt  }
0x5a: {  	_ =	shalt  }
0x5b: {  	_ =	shalt  }
0x5c: {  	_ =	shalt  }
0x5d: {  	_ =	shalt  }
0x5e: {  	_ =	shalt  }
0x5f: {  	_ =	shalt  }
0x60: {  	_ =	shalt  }
0x61: {  	_ =	shalt  }
0x62: {  	_ =	shalt  }
0x63: {  	_ =	shalt  }
0x64: {  	_ =	shalt  }
0x65: {  	_ =	shalt  }
0x66: {  	_ =	shalt  }
0x67: {  	_ =	shalt  }
0x68: {  	_ =	shalt  }
0x69: {  	_ =	shalt  }
0x6a: {  	_ =	shalt  }
0x6b: {  	_ =	shalt  }
0x6c: {  	_ =	shalt  }
0x6d: {  	_ =	shalt  }
0x6e: {  	_ =	shalt  }
0x6f: {  	_ =	shalt  }
0x70: {  	_ =	shalt  }
0x71: {  	_ =	shalt  }
0x72: {  	_ =	shalt  }
0x73: {  	_ =	shalt  }
0x74: {  	_ =	shalt  }
0x75: {  	_ =	shalt  }
0x76: {  	_ =	shalt  }
0x77: {  	_ =	shalt  }
0x78: {  	_ =	shalt  }
0x79: {  	_ =	shalt  }
0x7a: {  	_ =	shalt  }
0x7b: {  	_ =	shalt  }
0x7c: {  	_ =	shalt  }
0x7d: {  	_ =	shalt  }
0x7e: {  	_ =	shalt  }
0x7f: {  	_ =	shalt  }
0x80: {  	_ =	shalt  }
0x81: {  	_ =	shalt  }
0x82: {  	_ =	shalt  }
0x83: {  	_ =	shalt  }
0x84: {  	_ =	shalt  }
0x85: {  	_ =	shalt  }
0x86: {  	_ =	shalt  }
0x87: {  	_ =	shalt  }
.Lfunc_end0:
.L_simem_size_0:
called_computation.5_lowered:
.L_overlay_start_0:
0x88: {  	s2 =	sld [smem:$0x3FD9]  }
0x89: {  	s3 =	sld [smem:$0x3FFE];
	_ =	sdelay $0x1  }
0x8a: {  	s1 =	srdreg.scid  }
0x8b: {  	s0 =	sand.u32 $0x1, s1  }
0x8c: {  	s16 =	sshll.u32 s0, $0xA;
	s2 =	sadd.s32 s3, s2  }
0x8d: {  	s2 =	sadd.s32 s2, s16  }
0x8e: {  	[smem:$0x3FBA] =	sst s2  }
0x8f: {  	_ = 	snop  }
0x90: {  	(tm) =	ssettm $0x1  }
0x91: {  	s17 =	sld [smem:$0x3FFB];
	_ =	sdelay $0x3  }
0x92: {  	_ =	strace s17  }
0x93: {  	s2 =	sld [smem:$0x3FFC];
	_ =	sdelay $0x3  }
0x94: {  	_ =	strace s2  }
0x95: {  	s2 =	sld [smem:$0x3FFD];
	_ =	sdelay $0x3  }
0x96: {  	_ =	strace s2  }
0x97: {  	_ =	strace $0x8FFFFFFF  }
0x98: {  	s18 =	sld [smem:$0x3FDB];
	_ =	sdelay $0x1  }
0x99: {  	s19 =	simm.s32 $_scs_section_size  }
0x9a: {  	s4 =	simm.s32 $_size__tile_overlayer_lowered;
	s5 =	simm.s32 $_tile_overlayer_lowered  }
0x9b: {  	s22 =	simm.s32 $0x1BFF;
	s21 =	sshll.u32 s5, $0x1;
	s2 =	sadd.s32 s19, s18  }
0x9c: {  	s6 =	simm.s32 $0x0;
	s20 =	sshll.u32 s4, $0x1;
	s4 =	sadd.s32 s21, s2  }
0x9d: {  	[timem:s6], [sflag:s22] =	dma.local [hbm:s4], s20  }
0x9e: {  	_ =	swait.ge [sflag:s22], s20  }
0x9f: {  	s3 =	ssub.s32 $0x0, s20;
	[sflag:s22] =	ssyncset.done $0x0  }
0xa0: {  	[sflag:s22] =	ssyncadd.s32 s3;
	_ =	sdelay $0x1  }
0xa1: {  	s23 =	simm.s32 $0x1B8B  }
0xa2: {  	_ =	swait.ge [sflag:s23], $0x1  }
0xa3: {  	[sflag:s23] =	ssyncset.done $0x0  }
0xa4: {  	s25 =	simm.s32 $0x1B8E;
	s24 =	sld [smem:$0x3FFE];
	[sflag:s23] =	ssyncadd.s32 $0xFFFFFFFF  }
0xa5: {  	s26 =	simm.s32 $execute0_lowered;
	[smem:$0x3FD2] =	sst s25  }
0xa6: {  	s4 =	sshll.u32 s26, $0x1;
	_ =	strace $0x80000055;
	[dreg:$0x1] =	wrdreg $0xFFFFFFFF  }
0xa7: {  	s28 =	simm.s32 $_size_execute0_lowered;
	s2 =	sadd.s32 s2, s4;
	[dreg:$0x0] =	wrdreg $0x0  }
0xa8: {  	s4 =	sshll.u32 s28, $0x1;
	[dreg:$0x2] =	wrdreg s2  }
0xa9: {  	[dreg:$0x3] =	wrdreg s4  }
0xaa: {  	[dreg:$0x4] =	wrdreg $0xC0  }
0xab: {  	_ =	task [dreg:s6], $0x5FFFF  }
0xac: {  	[dreg:$0x1] =	wrdreg $0xFFFFFFFF  }
0xad: {  	[dreg:$0x0] =	wrdreg $0x60  }
0xae: {  	[dreg:$0x2] =	wrdreg s24  }
0xaf: {  	[dreg:$0x3] =	wrdreg $0x44000  }
0xb0: {  	[dreg:$0x4] =	wrdreg $0x9  }
0xb1: {  	_ =	task.clear_ibuf [dreg:s6], $0x5FFFF;
	_ =	strace $0x90000055  }
0xb2: {  	s29 =	simm.s32 $0x9;
	_ =	strace $0x80000057  }
0xb3: {  	_ =	swait.ge [sflag:s29], $0x1  }
0xb4: {  	[sflag:s29] =	ssyncadd.s32 $0xFFFFFFFF  }
0xb5: {  	_ =	strace $0x90000057  }
0xb6: {  	_ =	sfence  }
0xb7: {  	s30 =	sld [smem:$0x0];
	_ =	sdelay $0x2  }
0xb8: {  	s31 =	sshll.u32 s1, $0xD;
	s1 =	sshrl.u32 s1, $0x2  }
0xb9: {  	s3 =	sand.u32 $0x4000, s31;
	s1 =	sadd.s32 s1, s30  }
0xba: {  	s0 =	sor.u32 s3, s0;
	s1 =	sshll.u32 s1, $0x11  }
0xbb: {  	s0 =	sor.u32 s1, s0  }
0xbc: {  	s0 =	sadd.s32 $0x8F2B, s0  }
0xbd: {  	[sflag:s0] =	ssyncadd.remote.s32 $0x1  }
0xbe: {  	_ =	sfence.sel $0xFFFF  }
0xbf: {  	[dreg:$0x0] =	wrdreg $0xFFFFFFFF;
	(pc) =	sbr.abs _section_cstart, $3  }
0xc0: {  	[dreg:$0x1] =	wrdreg $0xFFFFFFFF  }
0xc1: {  	_ =	task.clear_ibuf [dreg:s6], $0x2FFFF;
	_ =	strace $0x9FFFFFFF  }
0xc2: {  	(tm) =	ssettm $0x7FFFFFFF  }
0xc3: {  	_ =	shalt  }
tec
execute0_lowered:
.L_overlay_start_1:
0x0: {  	(tag) =	ssettag $0x1  }
0x1: {  	s9 =	rddreg [dreg:$0x0]  }
0x2: {  	s2 =	rddreg [dreg:$0x1]  }
0x3: {  	s0 =	rddreg [dreg:$0x2];
	s3 =	simm.s32 $0x0;
	s4 =	srdreg.scid  }
0x4: {  	s1 =	stileid.u32;
	[smem:$0x7FF] =	sst s3  }
0x5: {  	s18 =	sand.u32 $0x1, s4;
	s29 =	sshll.u32 s1, $0x7;
	s30 =	sshll.u32 s1, $0xA  }
0x6: {  	s5 =	sshll.u32 s1, $0x6;
	_ =	strace $0x80000056;
	s8 =	sshll.u32 s18, $0x7  }
0x7: {  	s19 =	sadd.s32 s29, s9;
	s6 =	sadd.s32 s30, s2;
	s5 =	sor.u32 $0x1C01, s5  }
0x8: {  	s4 =	sadd.s32 $0x17E00, s19;
	s7 =	sshrl.u32 s6, $0x3;
	s6 =	simm.s32 $0x1  }
0x9: {  	[spmem:s7], [sflag:s5] =	dma.local [hbm:s4], $0x80  }
0xa: {  	s10 =	sshll.u32 s1, $0x8;
	s8 =	sadd.s32 s8, s9;
	_ =	swait.ge [sflag:s6], $0x80  }
0xb: {  	s8 =	sadd.s32 s10, s8;
	[sflag:s6] =	ssyncset.done $0x0  }
0xc: {  	s8 =	sadd.s32 $0x19C00, s8;
	[sflag:s6] =	ssyncadd.s32 $0xFFFFFF80  }
0xd: {  	[tilespmem:s3], [sflag:$0x1] =	stream.linear.gather [hbm4b:s8+s3], $0x400, $0x38;
	[tilespmem:$0x4800] =	vst v63  }
0xe: {  	_ =	swait.ge [sflag:s6], $0x400  }
0xf: {  	[sflag:s6] =	ssyncset.done $0x0  }
0x10: {  	s9 =	sadd.s32 $0x21800, s9;
	s10 =	simm.s32 $0x400;
	[sflag:s6] =	ssyncadd.s32 $0xFFFFFC00  }
0x11: {  	[tilespmem:s10], [sflag:$0x1] =	stream.linear.gather [hbm4b:s9+s3], $0x4000, $0x38;
	[tilespmem:$0x4800] =	vst v63  }
0x12: {  	_ =	swait.ge [sflag:s6], $0x4000  }
0x13: {  	[sflag:s6] =	ssyncset.done $0x0  }
0x14: {  	[sflag:s6] =	ssyncadd.s32 $0xFFFFC000  }
0x15: {  	s11 =	simm.s32 $0x80;
	[bflag:$0x0] =	sbarrier.arrive $0xFFFF  }
0x16: {  	[spmem:s2] =	stream.indirect.scatter.add.f32 [tilespmem:s10], [sflag:$0x1], $0x80, s3, s11, $0xb8;
	[tilespmem:$0x4800] =	vst v63  }
0x17: {  	_ =	swait.ge [sflag:s6], $0x4000  }
0x18: {  	[sflag:s6] =	ssyncset.done $0x0  }
0x19: {  	[sflag:s6] =	ssyncadd.s32 $0xFFFFC000  }
0x1a: {  	[spmem:s2] =	stream.indirect.scatter.add.f32 [tilespmem:s10], [sflag:$0x1], $0x80, s11, s11, $0xb8;
	[tilespmem:$0x4800] =	vst v63  }
0x1b: {  	_ =	swait.ge [sflag:s6], $0x4000  }
0x1c: {  	[sflag:s6] =	ssyncset.done $0x0  }
0x1d: {  	s12 =	simm.s32 $0x100;
	[sflag:s6] =	ssyncadd.s32 $0xFFFFC000  }
0x1e: {  	[spmem:s2] =	stream.indirect.scatter.add.f32 [tilespmem:s10], [sflag:$0x1], $0x80, s12, s11, $0xb8;
	[tilespmem:$0x4800] =	vst v63  }
0x1f: {  	_ =	swait.ge [sflag:s6], $0x4000  }
0x20: {  	[sflag:s6] =	ssyncset.done $0x0  }
0x21: {  	s13 =	simm.s32 $0x180;
	[sflag:s6] =	ssyncadd.s32 $0xFFFFC000  }
0x22: {  	[spmem:s2] =	stream.indirect.scatter.add.f32 [tilespmem:s10], [sflag:$0x1], $0x80, s13, s11, $0xb8;
	[tilespmem:$0x4800] =	vst v63  }
0x23: {  	_ =	swait.ge [sflag:s6], $0x4000  }
0x24: {  	[sflag:s6] =	ssyncset.done $0x0  }
0x25: {  	s14 =	simm.s32 $0x200;
	[sflag:s6] =	ssyncadd.s32 $0xFFFFC000  }
0x26: {  	[spmem:s2] =	stream.indirect.scatter.add.f32 [tilespmem:s10], [sflag:$0x1], $0x80, s14, s11, $0xb8;
	[tilespmem:$0x4800] =	vst v63  }
0x27: {  	_ =	swait.ge [sflag:s6], $0x4000  }
0x28: {  	[sflag:s6] =	ssyncset.done $0x0  }
0x29: {  	s15 =	simm.s32 $0x280;
	[sflag:s6] =	ssyncadd.s32 $0xFFFFC000  }
0x2a: {  	[spmem:s2] =	stream.indirect.scatter.add.f32 [tilespmem:s10], [sflag:$0x1], $0x80, s15, s11, $0xb8;
	[tilespmem:$0x4800] =	vst v63  }
0x2b: {  	_ =	swait.ge [sflag:s6], $0x4000  }
0x2c: {  	[sflag:s6] =	ssyncset.done $0x0  }
0x2d: {  	s16 =	simm.s32 $0x300;
	[sflag:s6] =	ssyncadd.s32 $0xFFFFC000  }
0x2e: {  	[spmem:s2] =	stream.indirect.scatter.add.f32 [tilespmem:s10], [sflag:$0x1], $0x80, s16, s11, $0xb8;
	[tilespmem:$0x4800] =	vst v63  }
0x2f: {  	s20 =	ssub.s32 $0x2, s18;
	_ =	swait.ge [sflag:s6], $0x4000  }
0x30: {  	s21 =	sshrl.u32 s20, $0x1;
	[sflag:s6] =	ssyncset.done $0x0  }
0x31: {  	s17 =	simm.s32 $0x380;
	s20 =	ssub.s32 s20, s21;
	[sflag:s6] =	ssyncadd.s32 $0xFFFFC000  }
0x32: {  	[spmem:s2] =	stream.indirect.scatter.add.f32 [tilespmem:s10], [sflag:$0x1], $0x80, s17, s11, $0xb8;
	[tilespmem:$0x4800] =	vst v63  }
0x33: {  	s31 =	smax.u32 s20, $0x1;
	_ =	swait.ge [sflag:s6], $0x4000  }
0x34: {  	s18 =	sshll.u32 s18, $0xB;
	p0 =	sne.s32 s31, $0x1;
	[sflag:s6] =	ssyncset.done $0x0  }
.Ltmp0:
0x35: {  	s18 =	sadd.s32 s18, s19;
	[sflag:s6] =	ssyncadd.s32 $0xFFFFC000;
	(pc) =	sbr.rel @!p0 .LBB2_2-.Ltmp0, $4  }
0x36: {  	s18 =	sadd.s32 $0x1AC00, s18;
	[bflag:$0x0] =	sbarrier.arrive $0xFFFF  }
0x37: {  	[hbm:s18], [sflag:s5] =	dma.local [spmem:s7], $0x80  }
0x38: {  	_ =	swait.ge [sflag:s6], $0x80  }
0x39: {  	s19 =	sadd.s32 $0xFFFFFFFF, s31;
	[sflag:s6] =	ssyncset.done $0x0  }
.LBB2_1:
0x3a: {  	p0 =	sne.s32 s19, $0x1;
	s19 =	sadd.s32 $0xFFFFFFFF, s19;
	[sflag:s6] =	ssyncadd.s32 $0xFFFFFF80  }
0x3b: {  	[spmem:s7], [sflag:s5] =	dma.local [hbm:s4], $0x80  }
0x3c: {  	_ =	swait.ge [sflag:s6], $0x80  }
0x3d: {  	[sflag:s6] =	ssyncset.done $0x0  }
0x3e: {  	[sflag:s6] =	ssyncadd.s32 $0xFFFFFF80  }
0x3f: {  	[tilespmem:s3], [sflag:$0x1] =	stream.linear.gather [hbm4b:s8+s3], $0x400, $0x38;
	[tilespmem:$0x4800] =	vst v63  }
0x40: {  	_ =	swait.ge [sflag:s6], $0x400  }
0x41: {  	[sflag:s6] =	ssyncset.done $0x0  }
0x42: {  	[sflag:s6] =	ssyncadd.s32 $0xFFFFFC00  }
0x43: {  	[tilespmem:s10], [sflag:$0x1] =	stream.linear.gather [hbm4b:s9+s3], $0x4000, $0x38;
	[tilespmem:$0x4800] =	vst v63  }
0x44: {  	_ =	swait.ge [sflag:s6], $0x4000  }
0x45: {  	[sflag:s6] =	ssyncset.done $0x0  }
0x46: {  	[sflag:s6] =	ssyncadd.s32 $0xFFFFC000  }
0x47: {  	[bflag:$0x0] =	sbarrier.arrive $0xFFFF  }
0x48: {  	[spmem:s2] =	stream.indirect.scatter.add.f32 [tilespmem:s10], [sflag:$0x1], $0x80, s3, s11, $0xb8;
	[tilespmem:$0x4800] =	vst v63  }
0x49: {  	_ =	swait.ge [sflag:s6], $0x4000  }
0x4a: {  	[sflag:s6] =	ssyncset.done $0x0  }
0x4b: {  	[sflag:s6] =	ssyncadd.s32 $0xFFFFC000  }
0x4c: {  	[spmem:s2] =	stream.indirect.scatter.add.f32 [tilespmem:s10], [sflag:$0x1], $0x80, s11, s11, $0xb8;
	[tilespmem:$0x4800] =	vst v63  }
0x4d: {  	_ =	swait.ge [sflag:s6], $0x4000  }
0x4e: {  	[sflag:s6] =	ssyncset.done $0x0  }
0x4f: {  	[sflag:s6] =	ssyncadd.s32 $0xFFFFC000  }
0x50: {  	[spmem:s2] =	stream.indirect.scatter.add.f32 [tilespmem:s10], [sflag:$0x1], $0x80, s12, s11, $0xb8;
	[tilespmem:$0x4800] =	vst v63  }
0x51: {  	_ =	swait.ge [sflag:s6], $0x4000  }
0x52: {  	[sflag:s6] =	ssyncset.done $0x0  }
0x53: {  	[sflag:s6] =	ssyncadd.s32 $0xFFFFC000  }
0x54: {  	[spmem:s2] =	stream.indirect.scatter.add.f32 [tilespmem:s10], [sflag:$0x1], $0x80, s13, s11, $0xb8;
	[tilespmem:$0x4800] =	vst v63  }
0x55: {  	_ =	swait.ge [sflag:s6], $0x4000  }
0x56: {  	[sflag:s6] =	ssyncset.done $0x0  }
0x57: {  	[sflag:s6] =	ssyncadd.s32 $0xFFFFC000  }
0x58: {  	[spmem:s2] =	stream.indirect.scatter.add.f32 [tilespmem:s10], [sflag:$0x1], $0x80, s14, s11, $0xb8;
	[tilespmem:$0x4800] =	vst v63  }
0x59: {  	_ =	swait.ge [sflag:s6], $0x4000  }
0x5a: {  	[sflag:s6] =	ssyncset.done $0x0  }
0x5b: {  	[sflag:s6] =	ssyncadd.s32 $0xFFFFC000  }
0x5c: {  	[spmem:s2] =	stream.indirect.scatter.add.f32 [tilespmem:s10], [sflag:$0x1], $0x80, s15, s11, $0xb8;
	[tilespmem:$0x4800] =	vst v63  }
0x5d: {  	_ =	swait.ge [sflag:s6], $0x4000  }
0x5e: {  	[sflag:s6] =	ssyncset.done $0x0  }
0x5f: {  	[sflag:s6] =	ssyncadd.s32 $0xFFFFC000  }
0x60: {  	[spmem:s2] =	stream.indirect.scatter.add.f32 [tilespmem:s10], [sflag:$0x1], $0x80, s16, s11, $0xb8;
	[tilespmem:$0x4800] =	vst v63  }
0x61: {  	_ =	swait.ge [sflag:s6], $0x4000  }
0x62: {  	[sflag:s6] =	ssyncset.done $0x0  }
0x63: {  	[sflag:s6] =	ssyncadd.s32 $0xFFFFC000  }
0x64: {  	[spmem:s2] =	stream.indirect.scatter.add.f32 [tilespmem:s10], [sflag:$0x1], $0x80, s17, s11, $0xb8;
	[tilespmem:$0x4800] =	vst v63  }
0x65: {  	_ =	swait.ge [sflag:s6], $0x4000  }
0x66: {  	[sflag:s6] =	ssyncset.done $0x0  }
.Ltmp1:
0x67: {  	[sflag:s6] =	ssyncadd.s32 $0xFFFFC000;
	(pc) =	sbr.rel @p0 .LBB2_1-.Ltmp1, $4  }
0x68: {  	[bflag:$0x0] =	sbarrier.arrive $0xFFFF  }
0x69: {  	[hbm:s18], [sflag:s5] =	dma.local [spmem:s7], $0x80  }
0x6a: {  	_ =	swait.ge [sflag:s6], $0x80  }
0x6b: {  	[sflag:s6] =	ssyncset.done $0x0  }
.LBB2_2:
0x6c: {  	[sflag:s6] =	ssyncadd.s32 $0xFFFFFF80  }
0x6d: {  	_ =	sfence.sel $0x180000  }
0x6e: {  	[bflag:$0x0] =	sbarrier.arrive $0xFFFF  }
0x6f: {  	p0 =	sne.s32 s1, $0x0;
	_ =	strace $0x90000056  }
0x70: {  	s0 =	sadd.s32 @!p0 $0x100000, s0;
	[bflag:$0x2] =	sbarrier.arrive $0xFFFF  }
0x71: {  	[sflag:s0] =	ssyncadd.tile.s32 @!p0 $0x1;
	_ =	shalt  }
.Lfunc_end2:
_tile_overlayer_lowered:
.L_overlay_start_2:
0x72: {  	(tag) =	ssettag $0x2  }
0x73: {  	s0 =	rddreg [dreg:$0x0];
	s2 =	stileid.u32  }
0x74: {  	s1 =	rddreg [dreg:$0x1];
	p0 =	sne.s32 s2, $0x0  }
0x75: {  	s3 =	rddreg [dreg:$0x2];
	[bflag:$0x3] =	sbarrier.arrive $0xFFFF;
	s2 =	simm.s32 @!p0 $0x1C01  }
0x76: {  	[timem:s3], [sflag:s2] =	dma.local @!p0 [hbm:s0], s1  }
0x77: {  	s0 =	simm.s32 @!p0 $0x1  }
0x78: {  	_ =	swait.ge @!p0 [sflag:s0], s1  }
0x79: {  	s1 =	ssub.s32 @!p0 $0x0, s1;
	[sflag:s0] =	ssyncset.done @!p0 $0x0  }
0x7a: {  	[sflag:s0] =	ssyncadd.s32 @!p0 s1  }
0x7b: {  	[bflag:$0x3] =	sbarrier.arrive $0xFFFF  }
0x7c: {  	_ =	shalt  }

</sc_bundles>
